<compile_context>
chip_gen: v7x
topology: tpu7x:2x2x1
jax: 0.10.2.dev20260603
libtpu: 0.0.44.dev20260713+nightly
codegen_flags: <defaults>
</compile_context>

<pallas_src>
import functools

import jax
import jax.numpy as jnp
from jax import lax
from jax.experimental import pallas as pl
from jax.experimental.pallas import tpu as pltpu
from jax.experimental.pallas import tpu_sc as plsc

N = 10000
E = 320000
OUT_C = 64
HALF = 32
K = 10
ALPHA = 0.1
BN_EPS = 1e-5

NC = 2
NS = 16
NP = 10112
SEG = NP // NS
CH = 128

EPT = E // NS
C2 = 800
NCH2 = EPT // C2
SB = 158
NSB = SEG // SB

EPW = E // (NC * NS)
DC = 400
DNC = EPW // DC


def _mlp_prep_body(x_ref, w0_ref, b0_ref, gamma_ref, beta_ref, w1_ref, b1_ref,
                   deg2_ref, u0_ref, g_ref, coef_ref):
    x = x_ref[...]
    h = jnp.dot(x, w0_ref[...], preferred_element_type=jnp.float32)
    h = h + b0_ref[...][None, :]
    mu = jnp.mean(h, axis=0, keepdims=True)
    d = h - mu
    var = jnp.mean(d * d, axis=0, keepdims=True)
    h = d / jnp.sqrt(var + BN_EPS) * gamma_ref[...][None, :] + beta_ref[...][None, :]
    h = jnp.maximum(h, 0.0)
    out0 = (
        jnp.dot(h, w1_ref[...], preferred_element_type=jnp.float32)
        + b1_ref[...][None, :]
    )
    deg = deg2_ref[0] + deg2_ref[1]
    sinv = 1.0 / jnp.sqrt(deg)
    coef_ref[...] = (1.0 - ALPHA) * sinv * sinv
    s_n = sinv[:N, 0:1]
    u0 = out0 * s_n
    g = ALPHA * u0
    zpad = jnp.zeros((NP - N, HALF), jnp.float32)
    u0_ref[pl.ds(0, N), :] = u0[:, :HALF]
    u0_ref[pl.ds(N, NP - N), :] = zpad
    u0_ref[pl.ds(NP, N), :] = u0[:, HALF:]
    u0_ref[pl.ds(NP + N, NP - N), :] = zpad
    g_ref[pl.ds(0, N), :] = g[:, :HALF]
    g_ref[pl.ds(N, NP - N), :] = zpad
    g_ref[pl.ds(NP, N), :] = g[:, HALF:]
    g_ref[pl.ds(NP + N, NP - N), :] = zpad


_mlp_prep = pl.pallas_call(
    _mlp_prep_body,
    out_shape=[
        jax.ShapeDtypeStruct((2 * NP, HALF), jnp.float32),
        jax.ShapeDtypeStruct((2 * NP, HALF), jnp.float32),
        jax.ShapeDtypeStruct((NP, 16), jnp.float32),
    ],
)


def _deg_body(edge_ref, deg_out, idx0, idx1, ones, seg, degsp, sd0, sd1):
    c = lax.axis_index("c")
    s = lax.axis_index("s")
    w = s * NC + c
    ebase = w * EPW

    def fill_ones(i, carry):
        ones[i] = jnp.zeros((16,), jnp.float32) + 1.0
        return carry

    lax.fori_loop(0, DC, fill_ones, 0)

    def fill_seg0(i, carry):
        seg[i] = jnp.zeros((16,), jnp.float32)
        return carry

    lax.fori_loop(0, SEG, fill_seg0, 0)

    @pl.when(c == 0)
    def _fill_seg1():
        def fill_seg1(i, carry):
            seg[i] = jnp.zeros((16,), jnp.float32) + 1.0
            return carry

        lax.fori_loop(0, SEG, fill_seg1, 0)
    pltpu.sync_copy(seg, degsp.at[pl.ds(s * SEG, SEG)])
    plsc.subcore_barrier()

    idxs = (idx0, idx1)
    dsems = (sd0, sd1)

    def stage_issue(j, b):
        pltpu.async_copy(edge_ref.at[pl.ds(E + ebase + j * DC, DC)],
                         idxs[b].at[0], dsems[b])

    def stage_wait(b):
        pltpu.make_async_copy(edge_ref.at[pl.ds(0, DC)], idxs[b].at[0],
                              dsems[b]).wait()

    def dscat(b):
        pltpu.sync_copy(ones, degsp.at[idxs[b].at[0]], add=True)

    stage_issue(0, 0)

    def dpair(gp, carry):
        j0 = 2 * gp
        j1 = 2 * gp + 1
        stage_wait(0)
        stage_issue(j1, 1)
        dscat(0)
        stage_wait(1)

        @pl.when(j1 + 1 < DNC)
        def _():
            stage_issue(j1 + 1, 0)

        dscat(1)
        return carry

    lax.fori_loop(0, DNC // 2, dpair, 0)
    stage_wait(0)
    dscat(0)

    plsc.subcore_barrier()
    pltpu.sync_copy(degsp.at[pl.ds(s * SEG, SEG)], seg)
    pltpu.sync_copy(seg, deg_out.at[c, pl.ds(s * SEG, SEG)])


_deg_kernel = functools.partial(
    pl.kernel,
    out_type=jax.ShapeDtypeStruct((NC, NP, 16), jnp.float32),
    mesh=plsc.VectorSubcoreMesh(core_axis_name="c", subcore_axis_name="s"),
    compiler_params=pltpu.CompilerParams(use_tc_tiling_on_sc=False),
    scratch_types=[
        pltpu.VMEM((1, DC), jnp.int32),
        pltpu.VMEM((1, DC), jnp.int32),
        pltpu.VMEM((DC, 16), jnp.float32),
        pltpu.VMEM((SEG, 16), jnp.float32),
        pltpu.VMEM_SHARED((NP + 16, 16), jnp.float32),
        pltpu.SemaphoreType.DMA,
        pltpu.SemaphoreType.DMA,
    ],
)(_deg_body)


def _appnp_body(edge_ref, u0_ref, coef_ref, g_ref, u_ref,
                src_idx, dst_idx, gbuf0, gbuf1, bbuf, gvec,
                cvec, agg, sg0, sg1):
    c = lax.axis_index("c")
    t = lax.axis_index("s")
    ebase = t * EPT
    rbase = t * SEG
    cnp = c * NP

    def stage_row(j, carry):
        pltpu.sync_copy(edge_ref.at[pl.ds(ebase + j * C2, C2)], src_idx.at[j])
        pltpu.sync_copy(edge_ref.at[pl.ds(E + ebase + j * C2, C2)], dst_idx.at[j])
        return carry

    lax.fori_loop(0, NCH2, stage_row, 0)

    def add_off(j, carry):
        def add_lane(l, inner):
            v = src_idx[j, pl.ds(l * 16, 16)]
            src_idx[j, pl.ds(l * 16, 16)] = v + cnp
            return inner

        return lax.fori_loop(0, C2 // 16, add_lane, carry)

    lax.fori_loop(0, NCH2, add_off, 0)

    def init_sub(sb, carry):
        off = rbase + sb * SB
        pltpu.sync_copy(u0_ref.at[pl.ds(cnp + off, SB)], bbuf)
        pltpu.sync_copy(bbuf, u_ref.at[pl.ds(cnp + off, SB)])
        pltpu.sync_copy(bbuf, agg.at[pl.ds(off, SB)])
        return carry

    lax.fori_loop(0, NSB, init_sub, 0)
    plsc.subcore_barrier()

    bufs = (gbuf0, gbuf1)
    sems = (sg0, sg1)

    def gather_issue(j, b):
        pltpu.async_copy(u_ref.at[src_idx.at[j]], bufs[b], sems[b])

    def gather_wait(b):
        pltpu.make_async_copy(u_ref.at[pl.ds(0, C2)], bufs[b], sems[b]).wait()

    def round_body(k, carry):
        gather_issue(0, 0)

        def pair(gp, c2):
            j0 = 2 * gp
            j1 = 2 * gp + 1
            gather_wait(0)
            gather_issue(j1, 1)
            pltpu.sync_copy(bufs[0], agg.at[dst_idx.at[j0]], add=True)
            gather_wait(1)

            @pl.when(j1 + 1 < NCH2)
            def _():
                gather_issue(j1 + 1, 0)

            pltpu.sync_copy(bufs[1], agg.at[dst_idx.at[j1]], add=True)
            return c2

        lax.fori_loop(0, NCH2 // 2, pair, 0)
        gather_wait(0)
        pltpu.sync_copy(bufs[0], agg.at[dst_idx.at[NCH2 - 1]], add=True)
        plsc.subcore_barrier()

        def blend_sub(sb, carry2):
            off = rbase + sb * SB
            pltpu.sync_copy(coef_ref.at[pl.ds(off, SB)], cvec)
            pltpu.sync_copy(g_ref.at[pl.ds(cnp + off, SB)], gvec)
            pltpu.sync_copy(agg.at[pl.ds(off, SB)], bbuf)

            def blend_row(i, c3):
                ci = cvec[i][0]
                bbuf[i, pl.ds(0, 16)] = (
                    bbuf[i, pl.ds(0, 16)] * ci + gvec[i, pl.ds(0, 16)]
                )
                bbuf[i, pl.ds(16, 16)] = (
                    bbuf[i, pl.ds(16, 16)] * ci + gvec[i, pl.ds(16, 16)]
                )
                return c3

            lax.fori_loop(0, SB, blend_row, 0)
            pltpu.sync_copy(bbuf, u_ref.at[pl.ds(cnp + off, SB)])
            pltpu.sync_copy(bbuf, agg.at[pl.ds(off, SB)])
            return carry2

        lax.fori_loop(0, NSB, blend_sub, 0)
        plsc.subcore_barrier()
        return carry

    lax.fori_loop(0, K, round_body, 0)


_appnp = functools.partial(
    pl.kernel,
    out_type=jax.ShapeDtypeStruct((2 * NP, HALF), jnp.float32),
    mesh=plsc.VectorSubcoreMesh(core_axis_name="c", subcore_axis_name="s"),
    compiler_params=pltpu.CompilerParams(use_tc_tiling_on_sc=False),
    scratch_types=[
        pltpu.VMEM((NCH2, C2), jnp.int32),
        pltpu.VMEM((NCH2, C2), jnp.int32),
        pltpu.VMEM((C2, HALF), jnp.float32),
        pltpu.VMEM((C2, HALF), jnp.float32),
        pltpu.VMEM((SB, HALF), jnp.float32),
        pltpu.VMEM((SB, HALF), jnp.float32),
        pltpu.VMEM((SB, 16), jnp.float32),
        pltpu.VMEM_SHARED((NP + 16, HALF), jnp.float32),
        pltpu.SemaphoreType.DMA,
        pltpu.SemaphoreType.DMA,
    ],
)(_appnp_body)


def _final_body(u_ref, deg2_ref, out_ref):
    deg = deg2_ref[0] + deg2_ref[1]
    srt = jnp.sqrt(deg[:N, 0:1])
    u64 = jnp.concatenate([u_ref[pl.ds(0, N), :], u_ref[pl.ds(NP, N), :]], axis=1)
    o = u64 * srt
    m = jnp.max(o, axis=1, keepdims=True)
    e = o - m
    lse = jnp.log(jnp.sum(jnp.exp(e), axis=1, keepdims=True))
    out_ref[...] = e - lse


_final = pl.pallas_call(
    _final_body,
    out_shape=jax.ShapeDtypeStruct((N, OUT_C), jnp.float32),
)


def kernel(x, edge_index, W0, b0, gamma, beta, W1, b1):
    edge_flat = edge_index.reshape(2 * E)
    deg2 = _deg_kernel(edge_flat)
    u0, g, coef = _mlp_prep(x, W0, b0, gamma, beta, W1, b1, deg2)
    u = _appnp(edge_flat, u0, coef, g)
    return _final(u, deg2)

# --- scband reference (transcript-rebuilt; emitter-appended) ---
"""Pipeline reference for scband-appnpnet-15779709846034 (READ-ONLY COPY).

The authoritative reference and input builder live on the scoring server;
editing this copy changes nothing except your own understanding.
"""

import jax, jax.numpy as jnp
import numpy as np

N = 10000
E = 320000
IN_C = 128
HID = 128
OUT_C = 64
K = 10
ALPHA = 0.1
BN_EPS = 1e-5


def _appnp_prop(x, edge_index):
    # PyG APPNP with GCN normalization and added self-loops.
    src = edge_index[0]
    dst = edge_index[1]
    sl = jnp.arange(N, dtype=src.dtype)
    src = jnp.concatenate([src, sl])
    dst = jnp.concatenate([dst, sl])
    deg = jnp.zeros((N,), dtype=x.dtype).at[dst].add(1.0)
    deg_inv_sqrt = jnp.where(deg > 0, 1.0 / jnp.sqrt(deg), 0.0)
    norm = deg_inv_sqrt[src] * deg_inv_sqrt[dst]
    h = x
    out = x
    for _ in range(K):
        msg = norm[:, None] * out[src]
        agg = jnp.zeros_like(out).at[dst].add(msg)
        out = (1.0 - ALPHA) * agg + ALPHA * h
    return out


def setup_inputs(seed: int = 0) -> dict:
    key = jax.random.key(seed)
    ks = jax.random.split(key, 8)
    x = jax.random.normal(ks[0], (N, IN_C), dtype=jnp.float32)
    rng = np.random.default_rng(0)
    edge_index = jnp.asarray(rng.integers(0, N, size=(2, E)), dtype=jnp.int32)
    W0 = jax.random.normal(ks[1], (IN_C, HID), dtype=jnp.float32) * (1.0 / np.sqrt(IN_C))
    b0 = jnp.zeros((HID,), dtype=jnp.float32)
    gamma = jnp.ones((HID,), dtype=jnp.float32)
    beta = jnp.zeros((HID,), dtype=jnp.float32)
    W1 = jax.random.normal(ks[2], (HID, OUT_C), dtype=jnp.float32) * (1.0 / np.sqrt(HID))
    b1 = jnp.zeros((OUT_C,), dtype=jnp.float32)
    return {"x": x, "edge_index": edge_index, "W0": W0, "b0": b0, "gamma": gamma, "beta": beta, "W1": W1, "b1": b1}


def reference(x, edge_index, W0, b0, gamma, beta, W1, b1):
    h = x @ W0 + b0
    mu = jnp.mean(h, axis=0)
    var = jnp.var(h, axis=0)
    h = (h - mu) / jnp.sqrt(var + BN_EPS) * gamma + beta
    h = jax.nn.relu(h)
    # dropout p=0.0 -> identity
    out = h @ W1 + b1
    out = _appnp_prop(out, edge_index)
    return jax.nn.log_softmax(out, axis=-1)

if __name__ == "__main__":
    import jax
    _d = setup_inputs()
    print(jax.jit(kernel)(*tuple(_d.values())))

</pallas_src>

<mosaic_0001>
#map = affine_map<(d0, d1) -> (0)>
#map1 = affine_map<(d0, d1) -> (0, 0)>
module attributes {stable_mosaic.version = 14 : i64} {
  func.func @_appnp_body(%arg0: i32, %arg1: i32, %arg2: memref<640000xi32, #tpu.memory_space<hbm>>, %arg3: memref<20224x32xf32, #tpu.memory_space<hbm>>, %arg4: memref<10112x16xf32, #tpu.memory_space<hbm>>, %arg5: memref<20224x32xf32, #tpu.memory_space<hbm>>, %arg6: memref<20224x32xf32, #tpu.memory_space<hbm>>, %arg7: memref<25x800xi32, #tpu.memory_space<vmem>>, %arg8: memref<25x800xi32, #tpu.memory_space<vmem>>, %arg9: memref<800x32xf32, #tpu.memory_space<vmem>>, %arg10: memref<800x32xf32, #tpu.memory_space<vmem>>, %arg11: memref<158x32xf32, #tpu.memory_space<vmem>>, %arg12: memref<158x32xf32, #tpu.memory_space<vmem>>, %arg13: memref<158x16xf32, #tpu.memory_space<vmem>>, %arg14: memref<10128x32xf32, #tpu.memory_space<vmem_shared>>, %arg15: memref<!tpu.dma_semaphore, #tpu.memory_space<semaphore_mem>>, %arg16: memref<!tpu.dma_semaphore, #tpu.memory_space<semaphore_mem>>) attributes {dimension_semantics = [#tpu.dimension_semantics<core_parallel>, #tpu.dimension_semantics<subcore_parallel>], iteration_bounds = array<i64: 2, 16>, scalar_prefetch = 0 : i64, scratch_operands = 10 : i64, tpu.core_type = #tpu.core_type<sc_vector_subcore>, window_params = [{transform_indices = #map}, {transform_indices = #map1}, {transform_indices = #map1}, {transform_indices = #map1}, {transform_indices = #map1}]} {
    %mul3A = arith.constant 20000 : i32
    %mul3A_0 = arith.muli %arg1, %mul3A : i32
    %mul3A_1 = arith.constant 632 : i32
    %mul3A_2 = arith.muli %arg1, %mul3A_1 : i32
    %mul3A_3 = arith.constant 10112 : i32
    %mul3A_4 = arith.muli %arg0, %mul3A_3 : i32
    %scan3A = arith.constant 0 : i32
    %scan3A_5 = arith.constant 0 : i32
    %scan3A_6 = arith.constant 25 : i32
    %scan3A_7 = arith.addi %scan3A_5, %scan3A_6 : i32
    %scan3A_8 = arith.constant 1 : i32
    scf.for %scan3A_28 = %scan3A_5 to %scan3A_7 step %scan3A_8  : i32 {
      %mul3A_29 = arith.constant 800 : i32
      %mul3A_30 = arith.muli %scan3A_28, %mul3A_29 : i32
      %add3A = arith.addi %mul3A_0, %mul3A_30 : i32
      "tpu.region"() ({
        %run_scoped3A = tpu.sem_alloc : memref<!tpu.dma_semaphore, #tpu.memory_space<semaphore_mem>>
        %dma_start3A = arith.constant 0 : i32
        %dma_start3A_36 = tpu.memref_slice %arg7[%scan3A_28, %dma_start3A] : memref<25x800xi32, #tpu.memory_space<vmem>> -> memref<1x800xi32, #tpu.memory_space<vmem>>
        %dma_start3A_37 = tpu.memref_squeeze %dma_start3A_36 : memref<1x800xi32, #tpu.memory_space<vmem>> -> memref<800xi32, #tpu.memory_space<vmem>>
        %dma_start3A_38 = tpu.memref_slice %arg2[%add3A] : memref<640000xi32, #tpu.memory_space<hbm>> -> memref<800xi32, #tpu.memory_space<hbm>>
        %dma_start3A_39 = arith.constant 0 : i32
        %dma_start3A_40 = tpu.memref_slice %arg7[%scan3A_28, %dma_start3A_39] : memref<25x800xi32, #tpu.memory_space<vmem>> -> memref<1x800xi32, #tpu.memory_space<vmem>>
        %dma_start3A_41 = tpu.memref_squeeze %dma_start3A_40 : memref<1x800xi32, #tpu.memory_space<vmem>> -> memref<800xi32, #tpu.memory_space<vmem>>
        %dma_start3A_42 = tpu.memref_slice %arg2[%add3A] : memref<640000xi32, #tpu.memory_space<hbm>> -> memref<800xi32, #tpu.memory_space<hbm>>
        tpu.enqueue_dma source(%dma_start3A_42 : memref<800xi32, #tpu.memory_space<hbm>>) target(%dma_start3A_41 : memref<800xi32, #tpu.memory_space<vmem>>) target_semaphore(%run_scoped3A : memref<!tpu.dma_semaphore, #tpu.memory_space<semaphore_mem>>)
        %dma_wait3A = arith.constant 0 : i32
        %dma_wait3A_43 = tpu.memref_slice %arg7[%scan3A_28, %dma_wait3A] : memref<25x800xi32, #tpu.memory_space<vmem>> -> memref<1x800xi32, #tpu.memory_space<vmem>>
        %dma_wait3A_44 = tpu.memref_squeeze %dma_wait3A_43 : memref<1x800xi32, #tpu.memory_space<vmem>> -> memref<800xi32, #tpu.memory_space<vmem>>
        %dma_wait3A_45 = tpu.memref_slice %arg2[%add3A] : memref<640000xi32, #tpu.memory_space<hbm>> -> memref<800xi32, #tpu.memory_space<hbm>>
        %dma_wait3A_46 = arith.constant 0 : i32
        %dma_wait3A_47 = tpu.memref_slice %arg7[%scan3A_28, %dma_wait3A_46] : memref<25x800xi32, #tpu.memory_space<vmem>> -> memref<1x800xi32, #tpu.memory_space<vmem>>
        %dma_wait3A_48 = tpu.memref_squeeze %dma_wait3A_47 : memref<1x800xi32, #tpu.memory_space<vmem>> -> memref<800xi32, #tpu.memory_space<vmem>>
        %dma_wait3A_49 = tpu.memref_slice %arg2[%add3A] : memref<640000xi32, #tpu.memory_space<hbm>> -> memref<800xi32, #tpu.memory_space<hbm>>
        tpu.wait_dma2 semaphore(%run_scoped3A : memref<!tpu.dma_semaphore, #tpu.memory_space<semaphore_mem>>) src(%dma_wait3A_49 : memref<800xi32, #tpu.memory_space<hbm>>) dst(%dma_wait3A_48 : memref<800xi32, #tpu.memory_space<vmem>>)
        tpu.yield
      }) : () -> ()
      %add3A_31 = arith.constant 320000 : i32
      %add3A_32 = arith.addi %add3A_31, %mul3A_0 : i32
      %mul3A_33 = arith.constant 800 : i32
      %mul3A_34 = arith.muli %scan3A_28, %mul3A_33 : i32
      %add3A_35 = arith.addi %add3A_32, %mul3A_34 : i32
      "tpu.region"() ({
        %run_scoped3A = tpu.sem_alloc : memref<!tpu.dma_semaphore, #tpu.memory_space<semaphore_mem>>
        %dma_start3A = arith.constant 0 : i32
        %dma_start3A_36 = tpu.memref_slice %arg8[%scan3A_28, %dma_start3A] : memref<25x800xi32, #tpu.memory_space<vmem>> -> memref<1x800xi32, #tpu.memory_space<vmem>>
        %dma_start3A_37 = tpu.memref_squeeze %dma_start3A_36 : memref<1x800xi32, #tpu.memory_space<vmem>> -> memref<800xi32, #tpu.memory_space<vmem>>
        %dma_start3A_38 = tpu.memref_slice %arg2[%add3A_35] : memref<640000xi32, #tpu.memory_space<hbm>> -> memref<800xi32, #tpu.memory_space<hbm>>
        %dma_start3A_39 = arith.constant 0 : i32
        %dma_start3A_40 = tpu.memref_slice %arg8[%scan3A_28, %dma_start3A_39] : memref<25x800xi32, #tpu.memory_space<vmem>> -> memref<1x800xi32, #tpu.memory_space<vmem>>
        %dma_start3A_41 = tpu.memref_squeeze %dma_start3A_40 : memref<1x800xi32, #tpu.memory_space<vmem>> -> memref<800xi32, #tpu.memory_space<vmem>>
        %dma_start3A_42 = tpu.memref_slice %arg2[%add3A_35] : memref<640000xi32, #tpu.memory_space<hbm>> -> memref<800xi32, #tpu.memory_space<hbm>>
        tpu.enqueue_dma source(%dma_start3A_42 : memref<800xi32, #tpu.memory_space<hbm>>) target(%dma_start3A_41 : memref<800xi32, #tpu.memory_space<vmem>>) target_semaphore(%run_scoped3A : memref<!tpu.dma_semaphore, #tpu.memory_space<semaphore_mem>>)
        %dma_wait3A = arith.constant 0 : i32
        %dma_wait3A_43 = tpu.memref_slice %arg8[%scan3A_28, %dma_wait3A] : memref<25x800xi32, #tpu.memory_space<vmem>> -> memref<1x800xi32, #tpu.memory_space<vmem>>
        %dma_wait3A_44 = tpu.memref_squeeze %dma_wait3A_43 : memref<1x800xi32, #tpu.memory_space<vmem>> -> memref<800xi32, #tpu.memory_space<vmem>>
        %dma_wait3A_45 = tpu.memref_slice %arg2[%add3A_35] : memref<640000xi32, #tpu.memory_space<hbm>> -> memref<800xi32, #tpu.memory_space<hbm>>
        %dma_wait3A_46 = arith.constant 0 : i32
        %dma_wait3A_47 = tpu.memref_slice %arg8[%scan3A_28, %dma_wait3A_46] : memref<25x800xi32, #tpu.memory_space<vmem>> -> memref<1x800xi32, #tpu.memory_space<vmem>>
        %dma_wait3A_48 = tpu.memref_squeeze %dma_wait3A_47 : memref<1x800xi32, #tpu.memory_space<vmem>> -> memref<800xi32, #tpu.memory_space<vmem>>
        %dma_wait3A_49 = tpu.memref_slice %arg2[%add3A_35] : memref<640000xi32, #tpu.memory_space<hbm>> -> memref<800xi32, #tpu.memory_space<hbm>>
        tpu.wait_dma2 semaphore(%run_scoped3A : memref<!tpu.dma_semaphore, #tpu.memory_space<semaphore_mem>>) src(%dma_wait3A_49 : memref<800xi32, #tpu.memory_space<hbm>>) dst(%dma_wait3A_48 : memref<800xi32, #tpu.memory_space<vmem>>)
        tpu.yield
      }) : () -> ()
    }
    %scan3A_9 = arith.constant 25 : i32
    %scan3A_10 = arith.constant 0 : i32
    %scan3A_11 = arith.constant 0 : i32
    %scan3A_12 = arith.constant 25 : i32
    %scan3A_13 = arith.addi %scan3A_11, %scan3A_12 : i32
    %scan3A_14 = arith.constant 1 : i32
    scf.for %scan3A_28 = %scan3A_11 to %scan3A_13 step %scan3A_14  : i32 {
      %scan3A_29 = arith.constant 0 : i32
      %scan3A_30 = arith.constant 50 : i32
      %scan3A_31 = arith.addi %scan3A_29, %scan3A_30 : i32
      %scan3A_32 = arith.constant 1 : i32
      scf.for %scan3A_34 = %scan3A_29 to %scan3A_31 step %scan3A_32  : i32 {
        %mul3A_35 = arith.constant 16 : i32
        %mul3A_36 = arith.muli %scan3A_34, %mul3A_35 : i32
        %get3A = arith.index_cast %scan3A_28 : i32 to index
        %get3A_37 = arith.index_cast %mul3A_36 : i32 to index
        %get3A_38 = tpu.vector_load %arg7[%get3A, %get3A_37] {strides = array<i32>} : memref<25x800xi32, #tpu.memory_space<vmem>>, vector<1x16xi32>,
        %get3A_39 = vector.shape_cast %get3A_38 : vector<1x16xi32> to vector<16xi32>
        %add3A = vector.broadcast %mul3A_4 : i32 to vector<16xi32>
        %add3A_40 = arith.addi %get3A_39, %add3A : vector<16xi32>
        %mul3A_41 = arith.constant 16 : i32
        %mul3A_42 = arith.muli %scan3A_34, %mul3A_41 : i32
        %swap3A = arith.index_cast %scan3A_28 : i32 to index
        %swap3A_43 = arith.index_cast %mul3A_42 : i32 to index
        %swap3A_44 = tpu.vector_load %arg7[%swap3A, %swap3A_43] {strides = array<i32>} : memref<25x800xi32, #tpu.memory_space<vmem>>, vector<1x16xi32>,
        %swap3A_45 = vector.shape_cast %swap3A_44 : vector<1x16xi32> to vector<16xi32>
        %swap3A_46 = vector.shape_cast %add3A_40 : vector<16xi32> to vector<1x16xi32>
        tpu.vector_store %arg7[%swap3A, %swap3A_43], %swap3A_46 {strides = array<i32>} : memref<25x800xi32, #tpu.memory_space<vmem>>, vector<1x16xi32>,
      }
      %scan3A_33 = arith.constant 50 : i32
    }
    %scan3A_15 = arith.constant 25 : i32
    %scan3A_16 = arith.constant 0 : i32
    %scan3A_17 = arith.constant 0 : i32
    %scan3A_18 = arith.constant 4 : i32
    %scan3A_19 = arith.addi %scan3A_17, %scan3A_18 : i32
    %scan3A_20 = arith.constant 1 : i32
    scf.for %scan3A_28 = %scan3A_17 to %scan3A_19 step %scan3A_20  : i32 {
      %mul3A_29 = arith.constant 158 : i32
      %mul3A_30 = arith.muli %scan3A_28, %mul3A_29 : i32
      %add3A = arith.addi %mul3A_2, %mul3A_30 : i32
      %add3A_31 = arith.addi %mul3A_4, %add3A : i32
      "tpu.region"() ({
        %run_scoped3A = tpu.sem_alloc : memref<!tpu.dma_semaphore, #tpu.memory_space<semaphore_mem>>
        %dma_start3A = arith.constant 0 : i32
        %dma_start3A_33 = tpu.memref_slice %arg3[%add3A_31, %dma_start3A] : memref<20224x32xf32, #tpu.memory_space<hbm>> -> memref<158x32xf32, #tpu.memory_space<hbm>>
        %dma_start3A_34 = arith.constant 0 : i32
        %dma_start3A_35 = tpu.memref_slice %arg3[%add3A_31, %dma_start3A_34] : memref<20224x32xf32, #tpu.memory_space<hbm>> -> memref<158x32xf32, #tpu.memory_space<hbm>>
        tpu.enqueue_dma source(%dma_start3A_35 : memref<158x32xf32, #tpu.memory_space<hbm>>) target(%arg11 : memref<158x32xf32, #tpu.memory_space<vmem>>) target_semaphore(%run_scoped3A : memref<!tpu.dma_semaphore, #tpu.memory_space<semaphore_mem>>)
        %dma_wait3A = arith.constant 0 : i32
        %dma_wait3A_36 = tpu.memref_slice %arg3[%add3A_31, %dma_wait3A] : memref<20224x32xf32, #tpu.memory_space<hbm>> -> memref<158x32xf32, #tpu.memory_space<hbm>>
        %dma_wait3A_37 = arith.constant 0 : i32
        %dma_wait3A_38 = tpu.memref_slice %arg3[%add3A_31, %dma_wait3A_37] : memref<20224x32xf32, #tpu.memory_space<hbm>> -> memref<158x32xf32, #tpu.memory_space<hbm>>
        tpu.wait_dma2 semaphore(%run_scoped3A : memref<!tpu.dma_semaphore, #tpu.memory_space<semaphore_mem>>) src(%dma_wait3A_38 : memref<158x32xf32, #tpu.memory_space<hbm>>) dst(%arg11 : memref<158x32xf32, #tpu.memory_space<vmem>>)
        tpu.yield
      }) : () -> ()
      %add3A_32 = arith.addi %mul3A_4, %add3A : i32
      "tpu.region"() ({
        %run_scoped3A = tpu.sem_alloc : memref<!tpu.dma_semaphore, #tpu.memory_space<semaphore_mem>>
        %dma_start3A = arith.constant 0 : i32
        %dma_start3A_33 = tpu.memref_slice %arg6[%add3A_32, %dma_start3A] : memref<20224x32xf32, #tpu.memory_space<hbm>> -> memref<158x32xf32, #tpu.memory_space<hbm>>
        %dma_start3A_34 = arith.constant 0 : i32
        %dma_start3A_35 = tpu.memref_slice %arg6[%add3A_32, %dma_start3A_34] : memref<20224x32xf32, #tpu.memory_space<hbm>> -> memref<158x32xf32, #tpu.memory_space<hbm>>
        tpu.enqueue_dma source(%arg11 : memref<158x32xf32, #tpu.memory_space<vmem>>) target(%dma_start3A_35 : memref<158x32xf32, #tpu.memory_space<hbm>>) target_semaphore(%run_scoped3A : memref<!tpu.dma_semaphore, #tpu.memory_space<semaphore_mem>>)
        %dma_wait3A = arith.constant 0 : i32
        %dma_wait3A_36 = tpu.memref_slice %arg6[%add3A_32, %dma_wait3A] : memref<20224x32xf32, #tpu.memory_space<hbm>> -> memref<158x32xf32, #tpu.memory_space<hbm>>
        %dma_wait3A_37 = arith.constant 0 : i32
        %dma_wait3A_38 = tpu.memref_slice %arg6[%add3A_32, %dma_wait3A_37] : memref<20224x32xf32, #tpu.memory_space<hbm>> -> memref<158x32xf32, #tpu.memory_space<hbm>>
        tpu.wait_dma2 semaphore(%run_scoped3A : memref<!tpu.dma_semaphore, #tpu.memory_space<semaphore_mem>>) src(%arg11 : memref<158x32xf32, #tpu.memory_space<vmem>>) dst(%dma_wait3A_38 : memref<158x32xf32, #tpu.memory_space<hbm>>)
        tpu.yield
      }) : () -> ()
      "tpu.region"() ({
        %run_scoped3A = tpu.sem_alloc : memref<!tpu.dma_semaphore, #tpu.memory_space<semaphore_mem>>
        %dma_start3A = arith.constant 0 : i32
        %dma_start3A_33 = tpu.memref_slice %arg14[%add3A, %dma_start3A] : memref<10128x32xf32, #tpu.memory_space<vmem_shared>> -> memref<158x32xf32, #tpu.memory_space<vmem_shared>>
        %dma_start3A_34 = arith.constant 0 : i32
        %dma_start3A_35 = tpu.memref_slice %arg14[%add3A, %dma_start3A_34] : memref<10128x32xf32, #tpu.memory_space<vmem_shared>> -> memref<158x32xf32, #tpu.memory_space<vmem_shared>>
        tpu.enqueue_dma source(%arg11 : memref<158x32xf32, #tpu.memory_space<vmem>>) target(%dma_start3A_35 : memref<158x32xf32, #tpu.memory_space<vmem_shared>>) target_semaphore(%run_scoped3A : memref<!tpu.dma_semaphore, #tpu.memory_space<semaphore_mem>>)
        %dma_wait3A = arith.constant 0 : i32
        %dma_wait3A_36 = tpu.memref_slice %arg14[%add3A, %dma_wait3A] : memref<10128x32xf32, #tpu.memory_space<vmem_shared>> -> memref<158x32xf32, #tpu.memory_space<vmem_shared>>
        %dma_wait3A_37 = arith.constant 0 : i32
        %dma_wait3A_38 = tpu.memref_slice %arg14[%add3A, %dma_wait3A_37] : memref<10128x32xf32, #tpu.memory_space<vmem_shared>> -> memref<158x32xf32, #tpu.memory_space<vmem_shared>>
        tpu.wait_dma2 semaphore(%run_scoped3A : memref<!tpu.dma_semaphore, #tpu.memory_space<semaphore_mem>>) src(%arg11 : memref<158x32xf32, #tpu.memory_space<vmem>>) dst(%dma_wait3A_38 : memref<158x32xf32, #tpu.memory_space<vmem_shared>>)
        tpu.yield
      }) : () -> ()
    }
    %scan3A_21 = arith.constant 4 : i32
    %barrier3A = arith.constant 0 : index
    tpu.barrier barrier_id(%barrier3A)
    %scan3A_22 = arith.constant 0 : i32
    %scan3A_23 = arith.constant 0 : i32
    %scan3A_24 = arith.constant 10 : i32
    %scan3A_25 = arith.addi %scan3A_23, %scan3A_24 : i32
    %scan3A_26 = arith.constant 1 : i32
    scf.for %scan3A_28 = %scan3A_23 to %scan3A_25 step %scan3A_26  : i32 {
      %dma_start3A = arith.constant 0 : i32
      %dma_start3A_29 = arith.constant 0 : i32
      %dma_start3A_30 = tpu.memref_slice %arg7[%dma_start3A, %dma_start3A_29] : memref<25x800xi32, #tpu.memory_space<vmem>> -> memref<1x800xi32, #tpu.memory_space<vmem>>
      %dma_start3A_31 = tpu.memref_squeeze %dma_start3A_30 : memref<1x800xi32, #tpu.memory_space<vmem>> -> memref<800xi32, #tpu.memory_space<vmem>>
      %dma_start3A_32 = arith.constant 0 : i32
      %dma_start3A_33 = arith.constant 0 : i32
      %dma_start3A_34 = tpu.memref_slice %arg6[%dma_start3A_32, %dma_start3A_33] : memref<20224x32xf32, #tpu.memory_space<hbm>> -> memref<20224x32xf32, #tpu.memory_space<hbm>>
      tpu.enqueue_indirect_dma source(%dma_start3A_34 : memref<20224x32xf32, #tpu.memory_space<hbm>>) target(%arg9 : memref<800x32xf32, #tpu.memory_space<vmem>>) offsets(%dma_start3A_31 : memref<800xi32, #tpu.memory_space<vmem>>) semaphore(%arg15 : memref<!tpu.dma_semaphore, #tpu.memory_space<semaphore_mem>>)
      %scan3A_35 = arith.constant 0 : i32
      %scan3A_36 = arith.constant 0 : i32
      %scan3A_37 = arith.constant 12 : i32
      %scan3A_38 = arith.addi %scan3A_36, %scan3A_37 : i32
      %scan3A_39 = arith.constant 1 : i32
      scf.for %scan3A_54 = %scan3A_36 to %scan3A_38 step %scan3A_39  : i32 {
        %mul3A_55 = arith.constant 2 : i32
        %mul3A_56 = arith.muli %mul3A_55, %scan3A_54 : i32
        %mul3A_57 = arith.constant 2 : i32
        %mul3A_58 = arith.muli %mul3A_57, %scan3A_54 : i32
        %add3A = arith.constant 1 : i32
        %add3A_59 = arith.addi %mul3A_58, %add3A : i32
        %dma_wait3A_60 = arith.constant 0 : i32
        %dma_wait3A_61 = arith.constant 0 : i32
        %dma_wait3A_62 = tpu.memref_slice %arg6[%dma_wait3A_60, %dma_wait3A_61] : memref<20224x32xf32, #tpu.memory_space<hbm>> -> memref<800x32xf32, #tpu.memory_space<hbm>>
        %dma_wait3A_63 = arith.constant 0 : i32
        %dma_wait3A_64 = arith.constant 0 : i32
        %dma_wait3A_65 = tpu.memref_slice %arg6[%dma_wait3A_63, %dma_wait3A_64] : memref<20224x32xf32, #tpu.memory_space<hbm>> -> memref<800x32xf32, #tpu.memory_space<hbm>>
        tpu.wait_dma2 semaphore(%arg15 : memref<!tpu.dma_semaphore, #tpu.memory_space<semaphore_mem>>) src(%dma_wait3A_65 : memref<800x32xf32, #tpu.memory_space<hbm>>) dst(%arg9 : memref<800x32xf32, #tpu.memory_space<vmem>>)
        %dma_start3A_66 = arith.constant 0 : i32
        %dma_start3A_67 = tpu.memref_slice %arg7[%add3A_59, %dma_start3A_66] : memref<25x800xi32, #tpu.memory_space<vmem>> -> memref<1x800xi32, #tpu.memory_space<vmem>>
        %dma_start3A_68 = tpu.memref_squeeze %dma_start3A_67 : memref<1x800xi32, #tpu.memory_space<vmem>> -> memref<800xi32, #tpu.memory_space<vmem>>
        %dma_start3A_69 = arith.constant 0 : i32
        %dma_start3A_70 = arith.constant 0 : i32
        %dma_start3A_71 = tpu.memref_slice %arg6[%dma_start3A_69, %dma_start3A_70] : memref<20224x32xf32, #tpu.memory_space<hbm>> -> memref<20224x32xf32, #tpu.memory_space<hbm>>
        tpu.enqueue_indirect_dma source(%dma_start3A_71 : memref<20224x32xf32, #tpu.memory_space<hbm>>) target(%arg10 : memref<800x32xf32, #tpu.memory_space<vmem>>) offsets(%dma_start3A_68 : memref<800xi32, #tpu.memory_space<vmem>>) semaphore(%arg16 : memref<!tpu.dma_semaphore, #tpu.memory_space<semaphore_mem>>)
        "tpu.region"() ({
          %run_scoped3A_82 = tpu.sem_alloc : memref<!tpu.dma_semaphore, #tpu.memory_space<semaphore_mem>>
          %dma_start3A_83 = arith.constant 0 : i32
          %dma_start3A_84 = tpu.memref_slice %arg8[%mul3A_56, %dma_start3A_83] : memref<25x800xi32, #tpu.memory_space<vmem>> -> memref<1x800xi32, #tpu.memory_space<vmem>>
          %dma_start3A_85 = tpu.memref_squeeze %dma_start3A_84 : memref<1x800xi32, #tpu.memory_space<vmem>> -> memref<800xi32, #tpu.memory_space<vmem>>
          %dma_start3A_86 = arith.constant 0 : i32
          %dma_start3A_87 = arith.constant 0 : i32
          %dma_start3A_88 = tpu.memref_slice %arg14[%dma_start3A_86, %dma_start3A_87] : memref<10128x32xf32, #tpu.memory_space<vmem_shared>> -> memref<10128x32xf32, #tpu.memory_space<vmem_shared>>
          tpu.enqueue_indirect_dma source(%arg9 : memref<800x32xf32, #tpu.memory_space<vmem>>) target(%dma_start3A_88 : memref<10128x32xf32, #tpu.memory_space<vmem_shared>>) offsets(%dma_start3A_85 : memref<800xi32, #tpu.memory_space<vmem>>) semaphore(%run_scoped3A_82 : memref<!tpu.dma_semaphore, #tpu.memory_space<semaphore_mem>>) {add = true}
          %dma_wait3A_89 = arith.constant 0 : i32
          %dma_wait3A_90 = tpu.memref_slice %arg8[%mul3A_56, %dma_wait3A_89] : memref<25x800xi32, #tpu.memory_space<vmem>> -> memref<1x800xi32, #tpu.memory_space<vmem>>
          %dma_wait3A_91 = tpu.memref_squeeze %dma_wait3A_90 : memref<1x800xi32, #tpu.memory_space<vmem>> -> memref<800xi32, #tpu.memory_space<vmem>>
          %dma_wait3A_92 = arith.constant 0 : i32
          %dma_wait3A_93 = arith.constant 0 : i32
          %dma_wait3A_94 = tpu.memref_slice %arg14[%dma_wait3A_92, %dma_wait3A_93] : memref<10128x32xf32, #tpu.memory_space<vmem_shared>> -> memref<10128x32xf32, #tpu.memory_space<vmem_shared>>
          tpu.wait_indirect_dma semaphore(%run_scoped3A_82 : memref<!tpu.dma_semaphore, #tpu.memory_space<semaphore_mem>>) src(%arg9 : memref<800x32xf32, #tpu.memory_space<vmem>>) dst(%dma_wait3A_94 : memref<10128x32xf32, #tpu.memory_space<vmem_shared>>)
          tpu.yield
        }) : () -> ()
        %dma_wait3A_72 = arith.constant 0 : i32
        %dma_wait3A_73 = arith.constant 0 : i32
        %dma_wait3A_74 = tpu.memref_slice %arg6[%dma_wait3A_72, %dma_wait3A_73] : memref<20224x32xf32, #tpu.memory_space<hbm>> -> memref<800x32xf32, #tpu.memory_space<hbm>>
        %dma_wait3A_75 = arith.constant 0 : i32
        %dma_wait3A_76 = arith.constant 0 : i32
        %dma_wait3A_77 = tpu.memref_slice %arg6[%dma_wait3A_75, %dma_wait3A_76] : memref<20224x32xf32, #tpu.memory_space<hbm>> -> memref<800x32xf32, #tpu.memory_space<hbm>>
        tpu.wait_dma2 semaphore(%arg16 : memref<!tpu.dma_semaphore, #tpu.memory_space<semaphore_mem>>) src(%dma_wait3A_77 : memref<800x32xf32, #tpu.memory_space<hbm>>) dst(%arg10 : memref<800x32xf32, #tpu.memory_space<vmem>>)
        %add3A_78 = arith.constant 1 : i32
        %add3A_79 = arith.addi %add3A_59, %add3A_78 : i32
        %lt3A = arith.constant 25 : i32
        %lt3A_80 = arith.cmpi slt, %add3A_79, %lt3A : i32
        %convert_element_type3A = arith.extui %lt3A_80 : i1 to i32
        %cond3A = arith.constant 0 : i32
        %cond3A_81 = arith.cmpi ne, %convert_element_type3A, %cond3A : i32
        scf.if %cond3A_81 {
          %add3A_82 = arith.constant 1 : i32
          %add3A_83 = arith.addi %add3A_59, %add3A_82 : i32
          %dma_start3A_84 = arith.constant 0 : i32
          %dma_start3A_85 = tpu.memref_slice %arg7[%add3A_83, %dma_start3A_84] : memref<25x800xi32, #tpu.memory_space<vmem>> -> memref<1x800xi32, #tpu.memory_space<vmem>>
          %dma_start3A_86 = tpu.memref_squeeze %dma_start3A_85 : memref<1x800xi32, #tpu.memory_space<vmem>> -> memref<800xi32, #tpu.memory_space<vmem>>
          %dma_start3A_87 = arith.constant 0 : i32
          %dma_start3A_88 = arith.constant 0 : i32
          %dma_start3A_89 = tpu.memref_slice %arg6[%dma_start3A_87, %dma_start3A_88] : memref<20224x32xf32, #tpu.memory_space<hbm>> -> memref<20224x32xf32, #tpu.memory_space<hbm>>
          tpu.enqueue_indirect_dma source(%dma_start3A_89 : memref<20224x32xf32, #tpu.memory_space<hbm>>) target(%arg9 : memref<800x32xf32, #tpu.memory_space<vmem>>) offsets(%dma_start3A_86 : memref<800xi32, #tpu.memory_space<vmem>>) semaphore(%arg15 : memref<!tpu.dma_semaphore, #tpu.memory_space<semaphore_mem>>)
        } else {
        }
        "tpu.region"() ({
          %run_scoped3A_82 = tpu.sem_alloc : memref<!tpu.dma_semaphore, #tpu.memory_space<semaphore_mem>>
          %dma_start3A_83 = arith.constant 0 : i32
          %dma_start3A_84 = tpu.memref_slice %arg8[%add3A_59, %dma_start3A_83] : memref<25x800xi32, #tpu.memory_space<vmem>> -> memref<1x800xi32, #tpu.memory_space<vmem>>
          %dma_start3A_85 = tpu.memref_squeeze %dma_start3A_84 : memref<1x800xi32, #tpu.memory_space<vmem>> -> memref<800xi32, #tpu.memory_space<vmem>>
          %dma_start3A_86 = arith.constant 0 : i32
          %dma_start3A_87 = arith.constant 0 : i32
          %dma_start3A_88 = tpu.memref_slice %arg14[%dma_start3A_86, %dma_start3A_87] : memref<10128x32xf32, #tpu.memory_space<vmem_shared>> -> memref<10128x32xf32, #tpu.memory_space<vmem_shared>>
          tpu.enqueue_indirect_dma source(%arg10 : memref<800x32xf32, #tpu.memory_space<vmem>>) target(%dma_start3A_88 : memref<10128x32xf32, #tpu.memory_space<vmem_shared>>) offsets(%dma_start3A_85 : memref<800xi32, #tpu.memory_space<vmem>>) semaphore(%run_scoped3A_82 : memref<!tpu.dma_semaphore, #tpu.memory_space<semaphore_mem>>) {add = true}
          %dma_wait3A_89 = arith.constant 0 : i32
          %dma_wait3A_90 = tpu.memref_slice %arg8[%add3A_59, %dma_wait3A_89] : memref<25x800xi32, #tpu.memory_space<vmem>> -> memref<1x800xi32, #tpu.memory_space<vmem>>
          %dma_wait3A_91 = tpu.memref_squeeze %dma_wait3A_90 : memref<1x800xi32, #tpu.memory_space<vmem>> -> memref<800xi32, #tpu.memory_space<vmem>>
          %dma_wait3A_92 = arith.constant 0 : i32
          %dma_wait3A_93 = arith.constant 0 : i32
          %dma_wait3A_94 = tpu.memref_slice %arg14[%dma_wait3A_92, %dma_wait3A_93] : memref<10128x32xf32, #tpu.memory_space<vmem_shared>> -> memref<10128x32xf32, #tpu.memory_space<vmem_shared>>
          tpu.wait_indirect_dma semaphore(%run_scoped3A_82 : memref<!tpu.dma_semaphore, #tpu.memory_space<semaphore_mem>>) src(%arg10 : memref<800x32xf32, #tpu.memory_space<vmem>>) dst(%dma_wait3A_94 : memref<10128x32xf32, #tpu.memory_space<vmem_shared>>)
          tpu.yield
        }) : () -> ()
      }
      %scan3A_40 = arith.constant 12 : i32
      %dma_wait3A = arith.constant 0 : i32
      %dma_wait3A_41 = arith.constant 0 : i32
      %dma_wait3A_42 = tpu.memref_slice %arg6[%dma_wait3A, %dma_wait3A_41] : memref<20224x32xf32, #tpu.memory_space<hbm>> -> memref<800x32xf32, #tpu.memory_space<hbm>>
      %dma_wait3A_43 = arith.constant 0 : i32
      %dma_wait3A_44 = arith.constant 0 : i32
      %dma_wait3A_45 = tpu.memref_slice %arg6[%dma_wait3A_43, %dma_wait3A_44] : memref<20224x32xf32, #tpu.memory_space<hbm>> -> memref<800x32xf32, #tpu.memory_space<hbm>>
      tpu.wait_dma2 semaphore(%arg15 : memref<!tpu.dma_semaphore, #tpu.memory_space<semaphore_mem>>) src(%dma_wait3A_45 : memref<800x32xf32, #tpu.memory_space<hbm>>) dst(%arg9 : memref<800x32xf32, #tpu.memory_space<vmem>>)
      %run_scoped3A = arith.constant 24 : i32
      "tpu.region"() ({
        %run_scoped3A_54 = tpu.sem_alloc : memref<!tpu.dma_semaphore, #tpu.memory_space<semaphore_mem>>
        %dma_start3A_55 = arith.constant 0 : i32
        %dma_start3A_56 = tpu.memref_slice %arg8[%run_scoped3A, %dma_start3A_55] : memref<25x800xi32, #tpu.memory_space<vmem>> -> memref<1x800xi32, #tpu.memory_space<vmem>>
        %dma_start3A_57 = tpu.memref_squeeze %dma_start3A_56 : memref<1x800xi32, #tpu.memory_space<vmem>> -> memref<800xi32, #tpu.memory_space<vmem>>
        %dma_start3A_58 = arith.constant 0 : i32
        %dma_start3A_59 = arith.constant 0 : i32
        %dma_start3A_60 = tpu.memref_slice %arg14[%dma_start3A_58, %dma_start3A_59] : memref<10128x32xf32, #tpu.memory_space<vmem_shared>> -> memref<10128x32xf32, #tpu.memory_space<vmem_shared>>
        tpu.enqueue_indirect_dma source(%arg9 : memref<800x32xf32, #tpu.memory_space<vmem>>) target(%dma_start3A_60 : memref<10128x32xf32, #tpu.memory_space<vmem_shared>>) offsets(%dma_start3A_57 : memref<800xi32, #tpu.memory_space<vmem>>) semaphore(%run_scoped3A_54 : memref<!tpu.dma_semaphore, #tpu.memory_space<semaphore_mem>>) {add = true}
        %dma_wait3A_61 = arith.constant 0 : i32
        %dma_wait3A_62 = tpu.memref_slice %arg8[%run_scoped3A, %dma_wait3A_61] : memref<25x800xi32, #tpu.memory_space<vmem>> -> memref<1x800xi32, #tpu.memory_space<vmem>>
        %dma_wait3A_63 = tpu.memref_squeeze %dma_wait3A_62 : memref<1x800xi32, #tpu.memory_space<vmem>> -> memref<800xi32, #tpu.memory_space<vmem>>
        %dma_wait3A_64 = arith.constant 0 : i32
        %dma_wait3A_65 = arith.constant 0 : i32
        %dma_wait3A_66 = tpu.memref_slice %arg14[%dma_wait3A_64, %dma_wait3A_65] : memref<10128x32xf32, #tpu.memory_space<vmem_shared>> -> memref<10128x32xf32, #tpu.memory_space<vmem_shared>>
        tpu.wait_indirect_dma semaphore(%run_scoped3A_54 : memref<!tpu.dma_semaphore, #tpu.memory_space<semaphore_mem>>) src(%arg9 : memref<800x32xf32, #tpu.memory_space<vmem>>) dst(%dma_wait3A_66 : memref<10128x32xf32, #tpu.memory_space<vmem_shared>>)
        tpu.yield
      }) : () -> ()
      %barrier3A_46 = arith.constant 0 : index
      tpu.barrier barrier_id(%barrier3A_46)
      %scan3A_47 = arith.constant 0 : i32
      %scan3A_48 = arith.constant 0 : i32
      %scan3A_49 = arith.constant 4 : i32
      %scan3A_50 = arith.addi %scan3A_48, %scan3A_49 : i32
      %scan3A_51 = arith.constant 1 : i32
      scf.for %scan3A_54 = %scan3A_48 to %scan3A_50 step %scan3A_51  : i32 {
        %mul3A_55 = arith.constant 158 : i32
        %mul3A_56 = arith.muli %scan3A_54, %mul3A_55 : i32
        %add3A = arith.addi %mul3A_2, %mul3A_56 : i32
        "tpu.region"() ({
          %run_scoped3A_65 = tpu.sem_alloc : memref<!tpu.dma_semaphore, #tpu.memory_space<semaphore_mem>>
          %dma_start3A_66 = arith.constant 0 : i32
          %dma_start3A_67 = tpu.memref_slice %arg4[%add3A, %dma_start3A_66] : memref<10112x16xf32, #tpu.memory_space<hbm>> -> memref<158x16xf32, #tpu.memory_space<hbm>>
          %dma_start3A_68 = arith.constant 0 : i32
          %dma_start3A_69 = tpu.memref_slice %arg4[%add3A, %dma_start3A_68] : memref<10112x16xf32, #tpu.memory_space<hbm>> -> memref<158x16xf32, #tpu.memory_space<hbm>>
          tpu.enqueue_dma source(%dma_start3A_69 : memref<158x16xf32, #tpu.memory_space<hbm>>) target(%arg13 : memref<158x16xf32, #tpu.memory_space<vmem>>) target_semaphore(%run_scoped3A_65 : memref<!tpu.dma_semaphore, #tpu.memory_space<semaphore_mem>>)
          %dma_wait3A_70 = arith.constant 0 : i32
          %dma_wait3A_71 = tpu.memref_slice %arg4[%add3A, %dma_wait3A_70] : memref<10112x16xf32, #tpu.memory_space<hbm>> -> memref<158x16xf32, #tpu.memory_space<hbm>>
          %dma_wait3A_72 = arith.constant 0 : i32
          %dma_wait3A_73 = tpu.memref_slice %arg4[%add3A, %dma_wait3A_72] : memref<10112x16xf32, #tpu.memory_space<hbm>> -> memref<158x16xf32, #tpu.memory_space<hbm>>
          tpu.wait_dma2 semaphore(%run_scoped3A_65 : memref<!tpu.dma_semaphore, #tpu.memory_space<semaphore_mem>>) src(%dma_wait3A_73 : memref<158x16xf32, #tpu.memory_space<hbm>>) dst(%arg13 : memref<158x16xf32, #tpu.memory_space<vmem>>)
          tpu.yield
        }) : () -> ()
        %add3A_57 = arith.addi %mul3A_4, %add3A : i32
        "tpu.region"() ({
          %run_scoped3A_65 = tpu.sem_alloc : memref<!tpu.dma_semaphore, #tpu.memory_space<semaphore_mem>>
          %dma_start3A_66 = arith.constant 0 : i32
          %dma_start3A_67 = tpu.memref_slice %arg5[%add3A_57, %dma_start3A_66] : memref<20224x32xf32, #tpu.memory_space<hbm>> -> memref<158x32xf32, #tpu.memory_space<hbm>>
          %dma_start3A_68 = arith.constant 0 : i32
          %dma_start3A_69 = tpu.memref_slice %arg5[%add3A_57, %dma_start3A_68] : memref<20224x32xf32, #tpu.memory_space<hbm>> -> memref<158x32xf32, #tpu.memory_space<hbm>>
          tpu.enqueue_dma source(%dma_start3A_69 : memref<158x32xf32, #tpu.memory_space<hbm>>) target(%arg12 : memref<158x32xf32, #tpu.memory_space<vmem>>) target_semaphore(%run_scoped3A_65 : memref<!tpu.dma_semaphore, #tpu.memory_space<semaphore_mem>>)
          %dma_wait3A_70 = arith.constant 0 : i32
          %dma_wait3A_71 = tpu.memref_slice %arg5[%add3A_57, %dma_wait3A_70] : memref<20224x32xf32, #tpu.memory_space<hbm>> -> memref<158x32xf32, #tpu.memory_space<hbm>>
          %dma_wait3A_72 = arith.constant 0 : i32
          %dma_wait3A_73 = tpu.memref_slice %arg5[%add3A_57, %dma_wait3A_72] : memref<20224x32xf32, #tpu.memory_space<hbm>> -> memref<158x32xf32, #tpu.memory_space<hbm>>
          tpu.wait_dma2 semaphore(%run_scoped3A_65 : memref<!tpu.dma_semaphore, #tpu.memory_space<semaphore_mem>>) src(%dma_wait3A_73 : memref<158x32xf32, #tpu.memory_space<hbm>>) dst(%arg12 : memref<158x32xf32, #tpu.memory_space<vmem>>)
          tpu.yield
        }) : () -> ()
        "tpu.region"() ({
          %run_scoped3A_65 = tpu.sem_alloc : memref<!tpu.dma_semaphore, #tpu.memory_space<semaphore_mem>>
          %dma_start3A_66 = arith.constant 0 : i32
          %dma_start3A_67 = tpu.memref_slice %arg14[%add3A, %dma_start3A_66] : memref<10128x32xf32, #tpu.memory_space<vmem_shared>> -> memref<158x32xf32, #tpu.memory_space<vmem_shared>>
          %dma_start3A_68 = arith.constant 0 : i32
          %dma_start3A_69 = tpu.memref_slice %arg14[%add3A, %dma_start3A_68] : memref<10128x32xf32, #tpu.memory_space<vmem_shared>> -> memref<158x32xf32, #tpu.memory_space<vmem_shared>>
          tpu.enqueue_dma source(%dma_start3A_69 : memref<158x32xf32, #tpu.memory_space<vmem_shared>>) target(%arg11 : memref<158x32xf32, #tpu.memory_space<vmem>>) target_semaphore(%run_scoped3A_65 : memref<!tpu.dma_semaphore, #tpu.memory_space<semaphore_mem>>)
          %dma_wait3A_70 = arith.constant 0 : i32
          %dma_wait3A_71 = tpu.memref_slice %arg14[%add3A, %dma_wait3A_70] : memref<10128x32xf32, #tpu.memory_space<vmem_shared>> -> memref<158x32xf32, #tpu.memory_space<vmem_shared>>
          %dma_wait3A_72 = arith.constant 0 : i32
          %dma_wait3A_73 = tpu.memref_slice %arg14[%add3A, %dma_wait3A_72] : memref<10128x32xf32, #tpu.memory_space<vmem_shared>> -> memref<158x32xf32, #tpu.memory_space<vmem_shared>>
          tpu.wait_dma2 semaphore(%run_scoped3A_65 : memref<!tpu.dma_semaphore, #tpu.memory_space<semaphore_mem>>) src(%dma_wait3A_73 : memref<158x32xf32, #tpu.memory_space<vmem_shared>>) dst(%arg11 : memref<158x32xf32, #tpu.memory_space<vmem>>)
          tpu.yield
        }) : () -> ()
        %scan3A_58 = arith.constant 0 : i32
        %scan3A_59 = arith.constant 0 : i32
        %scan3A_60 = arith.constant 158 : i32
        %scan3A_61 = arith.addi %scan3A_59, %scan3A_60 : i32
        %scan3A_62 = arith.constant 1 : i32
        scf.for %scan3A_65 = %scan3A_59 to %scan3A_61 step %scan3A_62  : i32 {
          %get3A = arith.index_cast %scan3A_65 : i32 to index
          %get3A_66 = arith.constant 0 : index
          %get3A_67 = tpu.vector_load %arg13[%get3A, %get3A_66] {strides = array<i32>} : memref<158x16xf32, #tpu.memory_space<vmem>>, vector<1x16xf32>,
          %get3A_68 = vector.shape_cast %get3A_67 : vector<1x16xf32> to vector<16xf32>
          %slice3A = vector.extract_strided_slice %get3A_68 {offsets = [0], sizes = [1], strides = [1]} : vector<16xf32> to vector<1xf32>
          %squeeze3A = vector.extract %slice3A[0] : f32 from vector<1xf32>
          %get3A_69 = arith.index_cast %scan3A_65 : i32 to index
          %get3A_70 = arith.constant 0 : index
          %get3A_71 = tpu.vector_load %arg11[%get3A_69, %get3A_70] {strides = array<i32>} : memref<158x32xf32, #tpu.memory_space<vmem>>, vector<1x16xf32>,
          %get3A_72 = vector.shape_cast %get3A_71 : vector<1x16xf32> to vector<16xf32>
          %mul3A_73 = vector.broadcast %squeeze3A : f32 to vector<16xf32>
          %mul3A_74 = arith.mulf %get3A_72, %mul3A_73 : vector<16xf32>
          %get3A_75 = arith.index_cast %scan3A_65 : i32 to index
          %get3A_76 = arith.constant 0 : index
          %get3A_77 = tpu.vector_load %arg12[%get3A_75, %get3A_76] {strides = array<i32>} : memref<158x32xf32, #tpu.memory_space<vmem>>, vector<1x16xf32>,
          %get3A_78 = vector.shape_cast %get3A_77 : vector<1x16xf32> to vector<16xf32>
          %add3A_79 = arith.addf %mul3A_74, %get3A_78 : vector<16xf32>
          %swap3A = arith.index_cast %scan3A_65 : i32 to index
          %swap3A_80 = arith.constant 0 : index
          %swap3A_81 = tpu.vector_load %arg11[%swap3A, %swap3A_80] {strides = array<i32>} : memref<158x32xf32, #tpu.memory_space<vmem>>, vector<1x16xf32>,
          %swap3A_82 = vector.shape_cast %swap3A_81 : vector<1x16xf32> to vector<16xf32>
          %swap3A_83 = vector.shape_cast %add3A_79 : vector<16xf32> to vector<1x16xf32>
          tpu.vector_store %arg11[%swap3A, %swap3A_80], %swap3A_83 {strides = array<i32>} : memref<158x32xf32, #tpu.memory_space<vmem>>, vector<1x16xf32>,
          %get3A_84 = arith.index_cast %scan3A_65 : i32 to index
          %get3A_85 = arith.constant 16 : index
          %get3A_86 = tpu.vector_load %arg11[%get3A_84, %get3A_85] {strides = array<i32>} : memref<158x32xf32, #tpu.memory_space<vmem>>, vector<1x16xf32>,
          %get3A_87 = vector.shape_cast %get3A_86 : vector<1x16xf32> to vector<16xf32>
          %mul3A_88 = vector.broadcast %squeeze3A : f32 to vector<16xf32>
          %mul3A_89 = arith.mulf %get3A_87, %mul3A_88 : vector<16xf32>
          %get3A_90 = arith.index_cast %scan3A_65 : i32 to index
          %get3A_91 = arith.constant 16 : index
          %get3A_92 = tpu.vector_load %arg12[%get3A_90, %get3A_91] {strides = array<i32>} : memref<158x32xf32, #tpu.memory_space<vmem>>, vector<1x16xf32>,
          %get3A_93 = vector.shape_cast %get3A_92 : vector<1x16xf32> to vector<16xf32>
          %add3A_94 = arith.addf %mul3A_89, %get3A_93 : vector<16xf32>
          %swap3A_95 = arith.index_cast %scan3A_65 : i32 to index
          %swap3A_96 = arith.constant 16 : index
          %swap3A_97 = tpu.vector_load %arg11[%swap3A_95, %swap3A_96] {strides = array<i32>} : memref<158x32xf32, #tpu.memory_space<vmem>>, vector<1x16xf32>,
          %swap3A_98 = vector.shape_cast %swap3A_97 : vector<1x16xf32> to vector<16xf32>
          %swap3A_99 = vector.shape_cast %add3A_94 : vector<16xf32> to vector<1x16xf32>
          tpu.vector_store %arg11[%swap3A_95, %swap3A_96], %swap3A_99 {strides = array<i32>} : memref<158x32xf32, #tpu.memory_space<vmem>>, vector<1x16xf32>,
        }
        %scan3A_63 = arith.constant 158 : i32
        %add3A_64 = arith.addi %mul3A_4, %add3A : i32
        "tpu.region"() ({
          %run_scoped3A_65 = tpu.sem_alloc : memref<!tpu.dma_semaphore, #tpu.memory_space<semaphore_mem>>
          %dma_start3A_66 = arith.constant 0 : i32
          %dma_start3A_67 = tpu.memref_slice %arg6[%add3A_64, %dma_start3A_66] : memref<20224x32xf32, #tpu.memory_space<hbm>> -> memref<158x32xf32, #tpu.memory_space<hbm>>
          %dma_start3A_68 = arith.constant 0 : i32
          %dma_start3A_69 = tpu.memref_slice %arg6[%add3A_64, %dma_start3A_68] : memref<20224x32xf32, #tpu.memory_space<hbm>> -> memref<158x32xf32, #tpu.memory_space<hbm>>
          tpu.enqueue_dma source(%arg11 : memref<158x32xf32, #tpu.memory_space<vmem>>) target(%dma_start3A_69 : memref<158x32xf32, #tpu.memory_space<hbm>>) target_semaphore(%run_scoped3A_65 : memref<!tpu.dma_semaphore, #tpu.memory_space<semaphore_mem>>)
          %dma_wait3A_70 = arith.constant 0 : i32
          %dma_wait3A_71 = tpu.memref_slice %arg6[%add3A_64, %dma_wait3A_70] : memref<20224x32xf32, #tpu.memory_space<hbm>> -> memref<158x32xf32, #tpu.memory_space<hbm>>
          %dma_wait3A_72 = arith.constant 0 : i32
          %dma_wait3A_73 = tpu.memref_slice %arg6[%add3A_64, %dma_wait3A_72] : memref<20224x32xf32, #tpu.memory_space<hbm>> -> memref<158x32xf32, #tpu.memory_space<hbm>>
          tpu.wait_dma2 semaphore(%run_scoped3A_65 : memref<!tpu.dma_semaphore, #tpu.memory_space<semaphore_mem>>) src(%arg11 : memref<158x32xf32, #tpu.memory_space<vmem>>) dst(%dma_wait3A_73 : memref<158x32xf32, #tpu.memory_space<hbm>>)
          tpu.yield
        }) : () -> ()
        "tpu.region"() ({
          %run_scoped3A_65 = tpu.sem_alloc : memref<!tpu.dma_semaphore, #tpu.memory_space<semaphore_mem>>
          %dma_start3A_66 = arith.constant 0 : i32
          %dma_start3A_67 = tpu.memref_slice %arg14[%add3A, %dma_start3A_66] : memref<10128x32xf32, #tpu.memory_space<vmem_shared>> -> memref<158x32xf32, #tpu.memory_space<vmem_shared>>
          %dma_start3A_68 = arith.constant 0 : i32
          %dma_start3A_69 = tpu.memref_slice %arg14[%add3A, %dma_start3A_68] : memref<10128x32xf32, #tpu.memory_space<vmem_shared>> -> memref<158x32xf32, #tpu.memory_space<vmem_shared>>
          tpu.enqueue_dma source(%arg11 : memref<158x32xf32, #tpu.memory_space<vmem>>) target(%dma_start3A_69 : memref<158x32xf32, #tpu.memory_space<vmem_shared>>) target_semaphore(%run_scoped3A_65 : memref<!tpu.dma_semaphore, #tpu.memory_space<semaphore_mem>>)
          %dma_wait3A_70 = arith.constant 0 : i32
          %dma_wait3A_71 = tpu.memref_slice %arg14[%add3A, %dma_wait3A_70] : memref<10128x32xf32, #tpu.memory_space<vmem_shared>> -> memref<158x32xf32, #tpu.memory_space<vmem_shared>>
          %dma_wait3A_72 = arith.constant 0 : i32
          %dma_wait3A_73 = tpu.memref_slice %arg14[%add3A, %dma_wait3A_72] : memref<10128x32xf32, #tpu.memory_space<vmem_shared>> -> memref<158x32xf32, #tpu.memory_space<vmem_shared>>
          tpu.wait_dma2 semaphore(%run_scoped3A_65 : memref<!tpu.dma_semaphore, #tpu.memory_space<semaphore_mem>>) src(%arg11 : memref<158x32xf32, #tpu.memory_space<vmem>>) dst(%dma_wait3A_73 : memref<158x32xf32, #tpu.memory_space<vmem_shared>>)
          tpu.yield
        }) : () -> ()
      }
      %scan3A_52 = arith.constant 4 : i32
      %barrier3A_53 = arith.constant 0 : index
      tpu.barrier barrier_id(%barrier3A_53)
    }
    %scan3A_27 = arith.constant 10 : i32
    return
  }
}

#map = affine_map<(d0, d1) -> (0)>
#map1 = affine_map<(d0, d1) -> (0, 0, 0)>
module attributes {stable_mosaic.version = 14 : i64} {
  func.func @_deg_body(%arg0: i32, %arg1: i32, %arg2: memref<640000xi32, #tpu.memory_space<hbm>>, %arg3: memref<2x10112x16xf32, #tpu.memory_space<hbm>>, %arg4: memref<1x400xi32, #tpu.memory_space<vmem>>, %arg5: memref<1x400xi32, #tpu.memory_space<vmem>>, %arg6: memref<400x16xf32, #tpu.memory_space<vmem>>, %arg7: memref<632x16xf32, #tpu.memory_space<vmem>>, %arg8: memref<10128x16xf32, #tpu.memory_space<vmem_shared>>, %arg9: memref<!tpu.dma_semaphore, #tpu.memory_space<semaphore_mem>>, %arg10: memref<!tpu.dma_semaphore, #tpu.memory_space<semaphore_mem>>) attributes {dimension_semantics = [#tpu.dimension_semantics<core_parallel>, #tpu.dimension_semantics<subcore_parallel>], iteration_bounds = array<i64: 2, 16>, scalar_prefetch = 0 : i64, scratch_operands = 7 : i64, tpu.core_type = #tpu.core_type<sc_vector_subcore>, window_params = [{transform_indices = #map}, {transform_indices = #map1}]} {
    %mul3A = arith.constant 2 : i32
    %mul3A_0 = arith.muli %arg1, %mul3A : i32
    %add3A = arith.addi %mul3A_0, %arg0 : i32
    %mul3A_1 = arith.constant 10000 : i32
    %mul3A_2 = arith.muli %add3A, %mul3A_1 : i32
    %scan3A = arith.constant 0 : i32
    %scan3A_3 = arith.constant 0 : i32
    %scan3A_4 = arith.constant 400 : i32
    %scan3A_5 = arith.addi %scan3A_3, %scan3A_4 : i32
    %scan3A_6 = arith.constant 1 : i32
    scf.for %scan3A_51 = %scan3A_3 to %scan3A_5 step %scan3A_6  : i32 {
      %broadcast_in_dim3A = arith.constant 0.000000e+00 : f32
      %broadcast_in_dim3A_52 = vector.broadcast %broadcast_in_dim3A : f32 to vector<16xf32>
      %add3A_53 = arith.constant 1.000000e+00 : f32
      %add3A_54 = vector.broadcast %add3A_53 : f32 to vector<16xf32>
      %add3A_55 = arith.addf %broadcast_in_dim3A_52, %add3A_54 : vector<16xf32>
      %swap3A = arith.index_cast %scan3A_51 : i32 to index
      %swap3A_56 = arith.constant 0 : index
      %swap3A_57 = tpu.vector_load %arg6[%swap3A, %swap3A_56] {strides = array<i32>} : memref<400x16xf32, #tpu.memory_space<vmem>>, vector<1x16xf32>,
      %swap3A_58 = vector.shape_cast %swap3A_57 : vector<1x16xf32> to vector<16xf32>
      %swap3A_59 = vector.shape_cast %add3A_55 : vector<16xf32> to vector<1x16xf32>
      tpu.vector_store %arg6[%swap3A, %swap3A_56], %swap3A_59 {strides = array<i32>} : memref<400x16xf32, #tpu.memory_space<vmem>>, vector<1x16xf32>,
    }
    %scan3A_7 = arith.constant 400 : i32
    %scan3A_8 = arith.constant 0 : i32
    %scan3A_9 = arith.constant 0 : i32
    %scan3A_10 = arith.constant 632 : i32
    %scan3A_11 = arith.addi %scan3A_9, %scan3A_10 : i32
    %scan3A_12 = arith.constant 1 : i32
    scf.for %scan3A_51 = %scan3A_9 to %scan3A_11 step %scan3A_12  : i32 {
      %broadcast_in_dim3A = arith.constant 0.000000e+00 : f32
      %broadcast_in_dim3A_52 = vector.broadcast %broadcast_in_dim3A : f32 to vector<16xf32>
      %swap3A = arith.index_cast %scan3A_51 : i32 to index
      %swap3A_53 = arith.constant 0 : index
      %swap3A_54 = tpu.vector_load %arg7[%swap3A, %swap3A_53] {strides = array<i32>} : memref<632x16xf32, #tpu.memory_space<vmem>>, vector<1x16xf32>,
      %swap3A_55 = vector.shape_cast %swap3A_54 : vector<1x16xf32> to vector<16xf32>
      %swap3A_56 = vector.shape_cast %broadcast_in_dim3A_52 : vector<16xf32> to vector<1x16xf32>
      tpu.vector_store %arg7[%swap3A, %swap3A_53], %swap3A_56 {strides = array<i32>} : memref<632x16xf32, #tpu.memory_space<vmem>>, vector<1x16xf32>,
    }
    %scan3A_13 = arith.constant 632 : i32
    %eq3A = arith.constant 0 : i32
    %eq3A_14 = arith.cmpi eq, %arg0, %eq3A : i32
    %convert_element_type3A = arith.extui %eq3A_14 : i1 to i32
    %cond3A = arith.constant 0 : i32
    %cond3A_15 = arith.cmpi ne, %convert_element_type3A, %cond3A : i32
    scf.if %cond3A_15 {
      %scan3A_51 = arith.constant 0 : i32
      %scan3A_52 = arith.constant 0 : i32
      %scan3A_53 = arith.constant 632 : i32
      %scan3A_54 = arith.addi %scan3A_52, %scan3A_53 : i32
      %scan3A_55 = arith.constant 1 : i32
      scf.for %scan3A_57 = %scan3A_52 to %scan3A_54 step %scan3A_55  : i32 {
        %broadcast_in_dim3A = arith.constant 0.000000e+00 : f32
        %broadcast_in_dim3A_58 = vector.broadcast %broadcast_in_dim3A : f32 to vector<16xf32>
        %add3A_59 = arith.constant 1.000000e+00 : f32
        %add3A_60 = vector.broadcast %add3A_59 : f32 to vector<16xf32>
        %add3A_61 = arith.addf %broadcast_in_dim3A_58, %add3A_60 : vector<16xf32>
        %swap3A = arith.index_cast %scan3A_57 : i32 to index
        %swap3A_62 = arith.constant 0 : index
        %swap3A_63 = tpu.vector_load %arg7[%swap3A, %swap3A_62] {strides = array<i32>} : memref<632x16xf32, #tpu.memory_space<vmem>>, vector<1x16xf32>,
        %swap3A_64 = vector.shape_cast %swap3A_63 : vector<1x16xf32> to vector<16xf32>
        %swap3A_65 = vector.shape_cast %add3A_61 : vector<16xf32> to vector<1x16xf32>
        tpu.vector_store %arg7[%swap3A, %swap3A_62], %swap3A_65 {strides = array<i32>} : memref<632x16xf32, #tpu.memory_space<vmem>>, vector<1x16xf32>,
      }
      %scan3A_56 = arith.constant 632 : i32
    } else {
    }
    %mul3A_16 = arith.constant 632 : i32
    %mul3A_17 = arith.muli %arg1, %mul3A_16 : i32
    "tpu.region"() ({
      %run_scoped3A_51 = tpu.sem_alloc : memref<!tpu.dma_semaphore, #tpu.memory_space<semaphore_mem>>
      %dma_start3A_52 = arith.constant 0 : i32
      %dma_start3A_53 = tpu.memref_slice %arg8[%mul3A_17, %dma_start3A_52] : memref<10128x16xf32, #tpu.memory_space<vmem_shared>> -> memref<632x16xf32, #tpu.memory_space<vmem_shared>>
      %dma_start3A_54 = arith.constant 0 : i32
      %dma_start3A_55 = tpu.memref_slice %arg8[%mul3A_17, %dma_start3A_54] : memref<10128x16xf32, #tpu.memory_space<vmem_shared>> -> memref<632x16xf32, #tpu.memory_space<vmem_shared>>
      tpu.enqueue_dma source(%arg7 : memref<632x16xf32, #tpu.memory_space<vmem>>) target(%dma_start3A_55 : memref<632x16xf32, #tpu.memory_space<vmem_shared>>) target_semaphore(%run_scoped3A_51 : memref<!tpu.dma_semaphore, #tpu.memory_space<semaphore_mem>>)
      %dma_wait3A_56 = arith.constant 0 : i32
      %dma_wait3A_57 = tpu.memref_slice %arg8[%mul3A_17, %dma_wait3A_56] : memref<10128x16xf32, #tpu.memory_space<vmem_shared>> -> memref<632x16xf32, #tpu.memory_space<vmem_shared>>
      %dma_wait3A_58 = arith.constant 0 : i32
      %dma_wait3A_59 = tpu.memref_slice %arg8[%mul3A_17, %dma_wait3A_58] : memref<10128x16xf32, #tpu.memory_space<vmem_shared>> -> memref<632x16xf32, #tpu.memory_space<vmem_shared>>
      tpu.wait_dma2 semaphore(%run_scoped3A_51 : memref<!tpu.dma_semaphore, #tpu.memory_space<semaphore_mem>>) src(%arg7 : memref<632x16xf32, #tpu.memory_space<vmem>>) dst(%dma_wait3A_59 : memref<632x16xf32, #tpu.memory_space<vmem_shared>>)
      tpu.yield
    }) : () -> ()
    %barrier3A = arith.constant 0 : index
    tpu.barrier barrier_id(%barrier3A)
    %add3A_18 = arith.constant 320000 : i32
    %add3A_19 = arith.addi %add3A_18, %mul3A_2 : i32
    %add3A_20 = arith.constant 0 : i32
    %add3A_21 = arith.addi %add3A_19, %add3A_20 : i32
    %dma_start3A = arith.constant 0 : i32
    %dma_start3A_22 = arith.constant 0 : i32
    %dma_start3A_23 = tpu.memref_slice %arg4[%dma_start3A, %dma_start3A_22] : memref<1x400xi32, #tpu.memory_space<vmem>> -> memref<1x400xi32, #tpu.memory_space<vmem>>
    %dma_start3A_24 = tpu.memref_squeeze %dma_start3A_23 : memref<1x400xi32, #tpu.memory_space<vmem>> -> memref<400xi32, #tpu.memory_space<vmem>>
    %dma_start3A_25 = tpu.memref_slice %arg2[%add3A_21] : memref<640000xi32, #tpu.memory_space<hbm>> -> memref<400xi32, #tpu.memory_space<hbm>>
    %dma_start3A_26 = arith.constant 0 : i32
    %dma_start3A_27 = tpu.memref_slice %arg4[%dma_start3A, %dma_start3A_26] : memref<1x400xi32, #tpu.memory_space<vmem>> -> memref<1x400xi32, #tpu.memory_space<vmem>>
    %dma_start3A_28 = tpu.memref_squeeze %dma_start3A_27 : memref<1x400xi32, #tpu.memory_space<vmem>> -> memref<400xi32, #tpu.memory_space<vmem>>
    %dma_start3A_29 = tpu.memref_slice %arg2[%add3A_21] : memref<640000xi32, #tpu.memory_space<hbm>> -> memref<400xi32, #tpu.memory_space<hbm>>
    tpu.enqueue_dma source(%dma_start3A_29 : memref<400xi32, #tpu.memory_space<hbm>>) target(%dma_start3A_28 : memref<400xi32, #tpu.memory_space<vmem>>) target_semaphore(%arg9 : memref<!tpu.dma_semaphore, #tpu.memory_space<semaphore_mem>>)
    %scan3A_30 = arith.constant 0 : i32
    %scan3A_31 = arith.constant 0 : i32
    %scan3A_32 = arith.constant 12 : i32
    %scan3A_33 = arith.addi %scan3A_31, %scan3A_32 : i32
    %scan3A_34 = arith.constant 1 : i32
    scf.for %scan3A_51 = %scan3A_31 to %scan3A_33 step %scan3A_34  : i32 {
      %mul3A_52 = arith.constant 2 : i32
      %mul3A_53 = arith.muli %mul3A_52, %scan3A_51 : i32
      %mul3A_54 = arith.constant 2 : i32
      %mul3A_55 = arith.muli %mul3A_54, %scan3A_51 : i32
      %add3A_56 = arith.constant 1 : i32
      %add3A_57 = arith.addi %mul3A_55, %add3A_56 : i32
      %dma_wait3A_58 = arith.constant 0 : i32
      %dma_wait3A_59 = arith.constant 0 : i32
      %dma_wait3A_60 = tpu.memref_slice %arg4[%dma_wait3A_58, %dma_wait3A_59] : memref<1x400xi32, #tpu.memory_space<vmem>> -> memref<1x400xi32, #tpu.memory_space<vmem>>
      %dma_wait3A_61 = tpu.memref_squeeze %dma_wait3A_60 : memref<1x400xi32, #tpu.memory_space<vmem>> -> memref<400xi32, #tpu.memory_space<vmem>>
      %dma_wait3A_62 = arith.constant 0 : i32
      %dma_wait3A_63 = tpu.memref_slice %arg2[%dma_wait3A_62] : memref<640000xi32, #tpu.memory_space<hbm>> -> memref<400xi32, #tpu.memory_space<hbm>>
      %dma_wait3A_64 = arith.constant 0 : i32
      %dma_wait3A_65 = tpu.memref_slice %arg4[%dma_wait3A_58, %dma_wait3A_64] : memref<1x400xi32, #tpu.memory_space<vmem>> -> memref<1x400xi32, #tpu.memory_space<vmem>>
      %dma_wait3A_66 = tpu.memref_squeeze %dma_wait3A_65 : memref<1x400xi32, #tpu.memory_space<vmem>> -> memref<400xi32, #tpu.memory_space<vmem>>
      %dma_wait3A_67 = arith.constant 0 : i32
      %dma_wait3A_68 = tpu.memref_slice %arg2[%dma_wait3A_67] : memref<640000xi32, #tpu.memory_space<hbm>> -> memref<400xi32, #tpu.memory_space<hbm>>
      tpu.wait_dma2 semaphore(%arg9 : memref<!tpu.dma_semaphore, #tpu.memory_space<semaphore_mem>>) src(%dma_wait3A_68 : memref<400xi32, #tpu.memory_space<hbm>>) dst(%dma_wait3A_66 : memref<400xi32, #tpu.memory_space<vmem>>)
      %add3A_69 = arith.constant 320000 : i32
      %add3A_70 = arith.addi %add3A_69, %mul3A_2 : i32
      %mul3A_71 = arith.constant 400 : i32
      %mul3A_72 = arith.muli %add3A_57, %mul3A_71 : i32
      %add3A_73 = arith.addi %add3A_70, %mul3A_72 : i32
      %dma_start3A_74 = arith.constant 0 : i32
      %dma_start3A_75 = arith.constant 0 : i32
      %dma_start3A_76 = tpu.memref_slice %arg5[%dma_start3A_74, %dma_start3A_75] : memref<1x400xi32, #tpu.memory_space<vmem>> -> memref<1x400xi32, #tpu.memory_space<vmem>>
      %dma_start3A_77 = tpu.memref_squeeze %dma_start3A_76 : memref<1x400xi32, #tpu.memory_space<vmem>> -> memref<400xi32, #tpu.memory_space<vmem>>
      %dma_start3A_78 = tpu.memref_slice %arg2[%add3A_73] : memref<640000xi32, #tpu.memory_space<hbm>> -> memref<400xi32, #tpu.memory_space<hbm>>
      %dma_start3A_79 = arith.constant 0 : i32
      %dma_start3A_80 = tpu.memref_slice %arg5[%dma_start3A_74, %dma_start3A_79] : memref<1x400xi32, #tpu.memory_space<vmem>> -> memref<1x400xi32, #tpu.memory_space<vmem>>
      %dma_start3A_81 = tpu.memref_squeeze %dma_start3A_80 : memref<1x400xi32, #tpu.memory_space<vmem>> -> memref<400xi32, #tpu.memory_space<vmem>>
      %dma_start3A_82 = tpu.memref_slice %arg2[%add3A_73] : memref<640000xi32, #tpu.memory_space<hbm>> -> memref<400xi32, #tpu.memory_space<hbm>>
      tpu.enqueue_dma source(%dma_start3A_82 : memref<400xi32, #tpu.memory_space<hbm>>) target(%dma_start3A_81 : memref<400xi32, #tpu.memory_space<vmem>>) target_semaphore(%arg10 : memref<!tpu.dma_semaphore, #tpu.memory_space<semaphore_mem>>)
      %run_scoped3A_83 = arith.constant 0 : i32
      "tpu.region"() ({
        %run_scoped3A_102 = tpu.sem_alloc : memref<!tpu.dma_semaphore, #tpu.memory_space<semaphore_mem>>
        %dma_start3A_103 = arith.constant 0 : i32
        %dma_start3A_104 = tpu.memref_slice %arg4[%run_scoped3A_83, %dma_start3A_103] : memref<1x400xi32, #tpu.memory_space<vmem>> -> memref<1x400xi32, #tpu.memory_space<vmem>>
        %dma_start3A_105 = tpu.memref_squeeze %dma_start3A_104 : memref<1x400xi32, #tpu.memory_space<vmem>> -> memref<400xi32, #tpu.memory_space<vmem>>
        %dma_start3A_106 = arith.constant 0 : i32
        %dma_start3A_107 = arith.constant 0 : i32
        %dma_start3A_108 = tpu.memref_slice %arg8[%dma_start3A_106, %dma_start3A_107] : memref<10128x16xf32, #tpu.memory_space<vmem_shared>> -> memref<10128x16xf32, #tpu.memory_space<vmem_shared>>
        tpu.enqueue_indirect_dma source(%arg6 : memref<400x16xf32, #tpu.memory_space<vmem>>) target(%dma_start3A_108 : memref<10128x16xf32, #tpu.memory_space<vmem_shared>>) offsets(%dma_start3A_105 : memref<400xi32, #tpu.memory_space<vmem>>) semaphore(%run_scoped3A_102 : memref<!tpu.dma_semaphore, #tpu.memory_space<semaphore_mem>>) {add = true}
        %dma_wait3A_109 = arith.constant 0 : i32
        %dma_wait3A_110 = tpu.memref_slice %arg4[%run_scoped3A_83, %dma_wait3A_109] : memref<1x400xi32, #tpu.memory_space<vmem>> -> memref<1x400xi32, #tpu.memory_space<vmem>>
        %dma_wait3A_111 = tpu.memref_squeeze %dma_wait3A_110 : memref<1x400xi32, #tpu.memory_space<vmem>> -> memref<400xi32, #tpu.memory_space<vmem>>
        %dma_wait3A_112 = arith.constant 0 : i32
        %dma_wait3A_113 = arith.constant 0 : i32
        %dma_wait3A_114 = tpu.memref_slice %arg8[%dma_wait3A_112, %dma_wait3A_113] : memref<10128x16xf32, #tpu.memory_space<vmem_shared>> -> memref<10128x16xf32, #tpu.memory_space<vmem_shared>>
        tpu.wait_indirect_dma semaphore(%run_scoped3A_102 : memref<!tpu.dma_semaphore, #tpu.memory_space<semaphore_mem>>) src(%arg6 : memref<400x16xf32, #tpu.memory_space<vmem>>) dst(%dma_wait3A_114 : memref<10128x16xf32, #tpu.memory_space<vmem_shared>>)
        tpu.yield
      }) : () -> ()
      %dma_wait3A_84 = arith.constant 0 : i32
      %dma_wait3A_85 = arith.constant 0 : i32
      %dma_wait3A_86 = tpu.memref_slice %arg5[%dma_wait3A_84, %dma_wait3A_85] : memref<1x400xi32, #tpu.memory_space<vmem>> -> memref<1x400xi32, #tpu.memory_space<vmem>>
      %dma_wait3A_87 = tpu.memref_squeeze %dma_wait3A_86 : memref<1x400xi32, #tpu.memory_space<vmem>> -> memref<400xi32, #tpu.memory_space<vmem>>
      %dma_wait3A_88 = arith.constant 0 : i32
      %dma_wait3A_89 = tpu.memref_slice %arg2[%dma_wait3A_88] : memref<640000xi32, #tpu.memory_space<hbm>> -> memref<400xi32, #tpu.memory_space<hbm>>
      %dma_wait3A_90 = arith.constant 0 : i32
      %dma_wait3A_91 = tpu.memref_slice %arg5[%dma_wait3A_84, %dma_wait3A_90] : memref<1x400xi32, #tpu.memory_space<vmem>> -> memref<1x400xi32, #tpu.memory_space<vmem>>
      %dma_wait3A_92 = tpu.memref_squeeze %dma_wait3A_91 : memref<1x400xi32, #tpu.memory_space<vmem>> -> memref<400xi32, #tpu.memory_space<vmem>>
      %dma_wait3A_93 = arith.constant 0 : i32
      %dma_wait3A_94 = tpu.memref_slice %arg2[%dma_wait3A_93] : memref<640000xi32, #tpu.memory_space<hbm>> -> memref<400xi32, #tpu.memory_space<hbm>>
      tpu.wait_dma2 semaphore(%arg10 : memref<!tpu.dma_semaphore, #tpu.memory_space<semaphore_mem>>) src(%dma_wait3A_94 : memref<400xi32, #tpu.memory_space<hbm>>) dst(%dma_wait3A_92 : memref<400xi32, #tpu.memory_space<vmem>>)
      %add3A_95 = arith.constant 1 : i32
      %add3A_96 = arith.addi %add3A_57, %add3A_95 : i32
      %lt3A = arith.constant 25 : i32
      %lt3A_97 = arith.cmpi slt, %add3A_96, %lt3A : i32
      %convert_element_type3A_98 = arith.extui %lt3A_97 : i1 to i32
      %cond3A_99 = arith.constant 0 : i32
      %cond3A_100 = arith.cmpi ne, %convert_element_type3A_98, %cond3A_99 : i32
      scf.if %cond3A_100 {
        %add3A_102 = arith.constant 1 : i32
        %add3A_103 = arith.addi %add3A_57, %add3A_102 : i32
        %add3A_104 = arith.constant 320000 : i32
        %add3A_105 = arith.addi %add3A_104, %mul3A_2 : i32
        %mul3A_106 = arith.constant 400 : i32
        %mul3A_107 = arith.muli %add3A_103, %mul3A_106 : i32
        %add3A_108 = arith.addi %add3A_105, %mul3A_107 : i32
        %dma_start3A_109 = arith.constant 0 : i32
        %dma_start3A_110 = arith.constant 0 : i32
        %dma_start3A_111 = tpu.memref_slice %arg4[%dma_start3A_109, %dma_start3A_110] : memref<1x400xi32, #tpu.memory_space<vmem>> -> memref<1x400xi32, #tpu.memory_space<vmem>>
        %dma_start3A_112 = tpu.memref_squeeze %dma_start3A_111 : memref<1x400xi32, #tpu.memory_space<vmem>> -> memref<400xi32, #tpu.memory_space<vmem>>
        %dma_start3A_113 = tpu.memref_slice %arg2[%add3A_108] : memref<640000xi32, #tpu.memory_space<hbm>> -> memref<400xi32, #tpu.memory_space<hbm>>
        %dma_start3A_114 = arith.constant 0 : i32
        %dma_start3A_115 = tpu.memref_slice %arg4[%dma_start3A_109, %dma_start3A_114] : memref<1x400xi32, #tpu.memory_space<vmem>> -> memref<1x400xi32, #tpu.memory_space<vmem>>
        %dma_start3A_116 = tpu.memref_squeeze %dma_start3A_115 : memref<1x400xi32, #tpu.memory_space<vmem>> -> memref<400xi32, #tpu.memory_space<vmem>>
        %dma_start3A_117 = tpu.memref_slice %arg2[%add3A_108] : memref<640000xi32, #tpu.memory_space<hbm>> -> memref<400xi32, #tpu.memory_space<hbm>>
        tpu.enqueue_dma source(%dma_start3A_117 : memref<400xi32, #tpu.memory_space<hbm>>) target(%dma_start3A_116 : memref<400xi32, #tpu.memory_space<vmem>>) target_semaphore(%arg9 : memref<!tpu.dma_semaphore, #tpu.memory_space<semaphore_mem>>)
      } else {
      }
      %run_scoped3A_101 = arith.constant 0 : i32
      "tpu.region"() ({
        %run_scoped3A_102 = tpu.sem_alloc : memref<!tpu.dma_semaphore, #tpu.memory_space<semaphore_mem>>
        %dma_start3A_103 = arith.constant 0 : i32
        %dma_start3A_104 = tpu.memref_slice %arg5[%run_scoped3A_101, %dma_start3A_103] : memref<1x400xi32, #tpu.memory_space<vmem>> -> memref<1x400xi32, #tpu.memory_space<vmem>>
        %dma_start3A_105 = tpu.memref_squeeze %dma_start3A_104 : memref<1x400xi32, #tpu.memory_space<vmem>> -> memref<400xi32, #tpu.memory_space<vmem>>
        %dma_start3A_106 = arith.constant 0 : i32
        %dma_start3A_107 = arith.constant 0 : i32
        %dma_start3A_108 = tpu.memref_slice %arg8[%dma_start3A_106, %dma_start3A_107] : memref<10128x16xf32, #tpu.memory_space<vmem_shared>> -> memref<10128x16xf32, #tpu.memory_space<vmem_shared>>
        tpu.enqueue_indirect_dma source(%arg6 : memref<400x16xf32, #tpu.memory_space<vmem>>) target(%dma_start3A_108 : memref<10128x16xf32, #tpu.memory_space<vmem_shared>>) offsets(%dma_start3A_105 : memref<400xi32, #tpu.memory_space<vmem>>) semaphore(%run_scoped3A_102 : memref<!tpu.dma_semaphore, #tpu.memory_space<semaphore_mem>>) {add = true}
        %dma_wait3A_109 = arith.constant 0 : i32
        %dma_wait3A_110 = tpu.memref_slice %arg5[%run_scoped3A_101, %dma_wait3A_109] : memref<1x400xi32, #tpu.memory_space<vmem>> -> memref<1x400xi32, #tpu.memory_space<vmem>>
        %dma_wait3A_111 = tpu.memref_squeeze %dma_wait3A_110 : memref<1x400xi32, #tpu.memory_space<vmem>> -> memref<400xi32, #tpu.memory_space<vmem>>
        %dma_wait3A_112 = arith.constant 0 : i32
        %dma_wait3A_113 = arith.constant 0 : i32
        %dma_wait3A_114 = tpu.memref_slice %arg8[%dma_wait3A_112, %dma_wait3A_113] : memref<10128x16xf32, #tpu.memory_space<vmem_shared>> -> memref<10128x16xf32, #tpu.memory_space<vmem_shared>>
        tpu.wait_indirect_dma semaphore(%run_scoped3A_102 : memref<!tpu.dma_semaphore, #tpu.memory_space<semaphore_mem>>) src(%arg6 : memref<400x16xf32, #tpu.memory_space<vmem>>) dst(%dma_wait3A_114 : memref<10128x16xf32, #tpu.memory_space<vmem_shared>>)
        tpu.yield
      }) : () -> ()
    }
    %scan3A_35 = arith.constant 12 : i32
    %dma_wait3A = arith.constant 0 : i32
    %dma_wait3A_36 = arith.constant 0 : i32
    %dma_wait3A_37 = tpu.memref_slice %arg4[%dma_wait3A, %dma_wait3A_36] : memref<1x400xi32, #tpu.memory_space<vmem>> -> memref<1x400xi32, #tpu.memory_space<vmem>>
    %dma_wait3A_38 = tpu.memref_squeeze %dma_wait3A_37 : memref<1x400xi32, #tpu.memory_space<vmem>> -> memref<400xi32, #tpu.memory_space<vmem>>
    %dma_wait3A_39 = arith.constant 0 : i32
    %dma_wait3A_40 = tpu.memref_slice %arg2[%dma_wait3A_39] : memref<640000xi32, #tpu.memory_space<hbm>> -> memref<400xi32, #tpu.memory_space<hbm>>
    %dma_wait3A_41 = arith.constant 0 : i32
    %dma_wait3A_42 = tpu.memref_slice %arg4[%dma_wait3A, %dma_wait3A_41] : memref<1x400xi32, #tpu.memory_space<vmem>> -> memref<1x400xi32, #tpu.memory_space<vmem>>
    %dma_wait3A_43 = tpu.memref_squeeze %dma_wait3A_42 : memref<1x400xi32, #tpu.memory_space<vmem>> -> memref<400xi32, #tpu.memory_space<vmem>>
    %dma_wait3A_44 = arith.constant 0 : i32
    %dma_wait3A_45 = tpu.memref_slice %arg2[%dma_wait3A_44] : memref<640000xi32, #tpu.memory_space<hbm>> -> memref<400xi32, #tpu.memory_space<hbm>>
    tpu.wait_dma2 semaphore(%arg9 : memref<!tpu.dma_semaphore, #tpu.memory_space<semaphore_mem>>) src(%dma_wait3A_45 : memref<400xi32, #tpu.memory_space<hbm>>) dst(%dma_wait3A_43 : memref<400xi32, #tpu.memory_space<vmem>>)
    %run_scoped3A = arith.constant 0 : i32
    "tpu.region"() ({
      %run_scoped3A_51 = tpu.sem_alloc : memref<!tpu.dma_semaphore, #tpu.memory_space<semaphore_mem>>
      %dma_start3A_52 = arith.constant 0 : i32
      %dma_start3A_53 = tpu.memref_slice %arg4[%run_scoped3A, %dma_start3A_52] : memref<1x400xi32, #tpu.memory_space<vmem>> -> memref<1x400xi32, #tpu.memory_space<vmem>>
      %dma_start3A_54 = tpu.memref_squeeze %dma_start3A_53 : memref<1x400xi32, #tpu.memory_space<vmem>> -> memref<400xi32, #tpu.memory_space<vmem>>
      %dma_start3A_55 = arith.constant 0 : i32
      %dma_start3A_56 = arith.constant 0 : i32
      %dma_start3A_57 = tpu.memref_slice %arg8[%dma_start3A_55, %dma_start3A_56] : memref<10128x16xf32, #tpu.memory_space<vmem_shared>> -> memref<10128x16xf32, #tpu.memory_space<vmem_shared>>
      tpu.enqueue_indirect_dma source(%arg6 : memref<400x16xf32, #tpu.memory_space<vmem>>) target(%dma_start3A_57 : memref<10128x16xf32, #tpu.memory_space<vmem_shared>>) offsets(%dma_start3A_54 : memref<400xi32, #tpu.memory_space<vmem>>) semaphore(%run_scoped3A_51 : memref<!tpu.dma_semaphore, #tpu.memory_space<semaphore_mem>>) {add = true}
      %dma_wait3A_58 = arith.constant 0 : i32
      %dma_wait3A_59 = tpu.memref_slice %arg4[%run_scoped3A, %dma_wait3A_58] : memref<1x400xi32, #tpu.memory_space<vmem>> -> memref<1x400xi32, #tpu.memory_space<vmem>>
      %dma_wait3A_60 = tpu.memref_squeeze %dma_wait3A_59 : memref<1x400xi32, #tpu.memory_space<vmem>> -> memref<400xi32, #tpu.memory_space<vmem>>
      %dma_wait3A_61 = arith.constant 0 : i32
      %dma_wait3A_62 = arith.constant 0 : i32
      %dma_wait3A_63 = tpu.memref_slice %arg8[%dma_wait3A_61, %dma_wait3A_62] : memref<10128x16xf32, #tpu.memory_space<vmem_shared>> -> memref<10128x16xf32, #tpu.memory_space<vmem_shared>>
      tpu.wait_indirect_dma semaphore(%run_scoped3A_51 : memref<!tpu.dma_semaphore, #tpu.memory_space<semaphore_mem>>) src(%arg6 : memref<400x16xf32, #tpu.memory_space<vmem>>) dst(%dma_wait3A_63 : memref<10128x16xf32, #tpu.memory_space<vmem_shared>>)
      tpu.yield
    }) : () -> ()
    %barrier3A_46 = arith.constant 0 : index
    tpu.barrier barrier_id(%barrier3A_46)
    %mul3A_47 = arith.constant 632 : i32
    %mul3A_48 = arith.muli %arg1, %mul3A_47 : i32
    "tpu.region"() ({
      %run_scoped3A_51 = tpu.sem_alloc : memref<!tpu.dma_semaphore, #tpu.memory_space<semaphore_mem>>
      %dma_start3A_52 = arith.constant 0 : i32
      %dma_start3A_53 = tpu.memref_slice %arg8[%mul3A_48, %dma_start3A_52] : memref<10128x16xf32, #tpu.memory_space<vmem_shared>> -> memref<632x16xf32, #tpu.memory_space<vmem_shared>>
      %dma_start3A_54 = arith.constant 0 : i32
      %dma_start3A_55 = tpu.memref_slice %arg8[%mul3A_48, %dma_start3A_54] : memref<10128x16xf32, #tpu.memory_space<vmem_shared>> -> memref<632x16xf32, #tpu.memory_space<vmem_shared>>
      tpu.enqueue_dma source(%dma_start3A_55 : memref<632x16xf32, #tpu.memory_space<vmem_shared>>) target(%arg7 : memref<632x16xf32, #tpu.memory_space<vmem>>) target_semaphore(%run_scoped3A_51 : memref<!tpu.dma_semaphore, #tpu.memory_space<semaphore_mem>>)
      %dma_wait3A_56 = arith.constant 0 : i32
      %dma_wait3A_57 = tpu.memref_slice %arg8[%mul3A_48, %dma_wait3A_56] : memref<10128x16xf32, #tpu.memory_space<vmem_shared>> -> memref<632x16xf32, #tpu.memory_space<vmem_shared>>
      %dma_wait3A_58 = arith.constant 0 : i32
      %dma_wait3A_59 = tpu.memref_slice %arg8[%mul3A_48, %dma_wait3A_58] : memref<10128x16xf32, #tpu.memory_space<vmem_shared>> -> memref<632x16xf32, #tpu.memory_space<vmem_shared>>
      tpu.wait_dma2 semaphore(%run_scoped3A_51 : memref<!tpu.dma_semaphore, #tpu.memory_space<semaphore_mem>>) src(%dma_wait3A_59 : memref<632x16xf32, #tpu.memory_space<vmem_shared>>) dst(%arg7 : memref<632x16xf32, #tpu.memory_space<vmem>>)
      tpu.yield
    }) : () -> ()
    %mul3A_49 = arith.constant 632 : i32
    %mul3A_50 = arith.muli %arg1, %mul3A_49 : i32
    "tpu.region"() ({
      %run_scoped3A_51 = tpu.sem_alloc : memref<!tpu.dma_semaphore, #tpu.memory_space<semaphore_mem>>
      %dma_start3A_52 = arith.constant 0 : i32
      %dma_start3A_53 = tpu.memref_slice %arg3[%arg0, %mul3A_50, %dma_start3A_52] : memref<2x10112x16xf32, #tpu.memory_space<hbm>> -> memref<1x632x16xf32, #tpu.memory_space<hbm>>
      %dma_start3A_54 = tpu.memref_squeeze %dma_start3A_53 : memref<1x632x16xf32, #tpu.memory_space<hbm>> -> memref<632x16xf32, #tpu.memory_space<hbm>>
      %dma_start3A_55 = arith.constant 0 : i32
      %dma_start3A_56 = tpu.memref_slice %arg3[%arg0, %mul3A_50, %dma_start3A_55] : memref<2x10112x16xf32, #tpu.memory_space<hbm>> -> memref<1x632x16xf32, #tpu.memory_space<hbm>>
      %dma_start3A_57 = tpu.memref_squeeze %dma_start3A_56 : memref<1x632x16xf32, #tpu.memory_space<hbm>> -> memref<632x16xf32, #tpu.memory_space<hbm>>
      tpu.enqueue_dma source(%arg7 : memref<632x16xf32, #tpu.memory_space<vmem>>) target(%dma_start3A_57 : memref<632x16xf32, #tpu.memory_space<hbm>>) target_semaphore(%run_scoped3A_51 : memref<!tpu.dma_semaphore, #tpu.memory_space<semaphore_mem>>)
      %dma_wait3A_58 = arith.constant 0 : i32
      %dma_wait3A_59 = tpu.memref_slice %arg3[%arg0, %mul3A_50, %dma_wait3A_58] : memref<2x10112x16xf32, #tpu.memory_space<hbm>> -> memref<1x632x16xf32, #tpu.memory_space<hbm>>
      %dma_wait3A_60 = tpu.memref_squeeze %dma_wait3A_59 : memref<1x632x16xf32, #tpu.memory_space<hbm>> -> memref<632x16xf32, #tpu.memory_space<hbm>>
      %dma_wait3A_61 = arith.constant 0 : i32
      %dma_wait3A_62 = tpu.memref_slice %arg3[%arg0, %mul3A_50, %dma_wait3A_61] : memref<2x10112x16xf32, #tpu.memory_space<hbm>> -> memref<1x632x16xf32, #tpu.memory_space<hbm>>
      %dma_wait3A_63 = tpu.memref_squeeze %dma_wait3A_62 : memref<1x632x16xf32, #tpu.memory_space<hbm>> -> memref<632x16xf32, #tpu.memory_space<hbm>>
      tpu.wait_dma2 semaphore(%run_scoped3A_51 : memref<!tpu.dma_semaphore, #tpu.memory_space<semaphore_mem>>) src(%arg7 : memref<632x16xf32, #tpu.memory_space<vmem>>) dst(%dma_wait3A_63 : memref<632x16xf32, #tpu.memory_space<hbm>>)
      tpu.yield
    }) : () -> ()
    return
  }
}

module attributes {stable_mosaic.version = 14 : i64} {
  func.func @_mlp_prep_body(%arg0: memref<10000x128xf32, #tpu.memory_space<vmem>>, %arg1: memref<128x128xf32, #tpu.memory_space<vmem>>, %arg2: memref<128xf32, #tpu.memory_space<vmem>>, %arg3: memref<128xf32, #tpu.memory_space<vmem>>, %arg4: memref<128xf32, #tpu.memory_space<vmem>>, %arg5: memref<128x64xf32, #tpu.memory_space<vmem>>, %arg6: memref<64xf32, #tpu.memory_space<vmem>>, %arg7: memref<2x10112x16xf32, #tpu.memory_space<vmem>>, %arg8: memref<20224x32xf32, #tpu.memory_space<vmem>>, %arg9: memref<20224x32xf32, #tpu.memory_space<vmem>>, %arg10: memref<10112x16xf32, #tpu.memory_space<vmem>>) attributes {dimension_semantics = [], scalar_prefetch = 0 : i64, scratch_operands = 0 : i64, tpu.core_type = #tpu.core_type<tc>} {
    %get3A = arith.constant 0 : index
    %get3A_0 = arith.constant 0 : index
    %get3A_1 = vector.load %arg0[%get3A, %get3A_0] : memref<10000x128xf32, #tpu.memory_space<vmem>>, vector<10000x128xf32>
    %get3A_2 = arith.constant 0 : index
    %get3A_3 = arith.constant 0 : index
    %get3A_4 = vector.load %arg1[%get3A_2, %get3A_3] : memref<128x128xf32, #tpu.memory_space<vmem>>, vector<128x128xf32>
    %dot_general3A = arith.constant dense<0.000000e+00> : vector<10000x128xf32>
    %dot_general3A_5 = tpu.matmul %get3A_1, %get3A_4, %dot_general3A {dimension_numbers = #tpu.dot_dimension_numbers<[1], [0], [0], [1], [0, 0, 1, 1], [], []>, transpose_lhs_hint = false} : vector<10000x128xf32>, vector<128x128xf32>, vector<10000x128xf32> -> vector<10000x128xf32>
    %get3A_6 = arith.constant 0 : index
    %get3A_7 = vector.load %arg2[%get3A_6] : memref<128xf32, #tpu.memory_space<vmem>>, vector<128xf32>
    %broadcast_in_dim3A = vector.shape_cast %get3A_7 : vector<128xf32> to vector<1x128xf32>
    %add3A = vector.broadcast %broadcast_in_dim3A : vector<1x128xf32> to vector<10000x128xf32>
    %add3A_8 = arith.addf %dot_general3A_5, %add3A : vector<10000x128xf32>
    %reduce_sum3A = arith.constant dense<0.000000e+00> : vector<128xf32>
    %reduce_sum3A_9 = vector.multi_reduction <add>, %add3A_8, %reduce_sum3A [0] : vector<10000x128xf32> to vector<128xf32>
    %broadcast_in_dim3A_10 = vector.shape_cast %reduce_sum3A_9 : vector<128xf32> to vector<1x128xf32>
    %div3A = arith.constant 1.000000e+04 : f32
    %div3A_11 = vector.broadcast %div3A : f32 to vector<1x128xf32>
    %div3A_12 = arith.divf %broadcast_in_dim3A_10, %div3A_11 : vector<1x128xf32>
    %sub3A = vector.broadcast %div3A_12 : vector<1x128xf32> to vector<10000x128xf32>
    %sub3A_13 = arith.subf %add3A_8, %sub3A : vector<10000x128xf32>
    %mul3A = arith.mulf %sub3A_13, %sub3A_13 : vector<10000x128xf32>
    %reduce_sum3A_14 = arith.constant dense<0.000000e+00> : vector<128xf32>
    %reduce_sum3A_15 = vector.multi_reduction <add>, %mul3A, %reduce_sum3A_14 [0] : vector<10000x128xf32> to vector<128xf32>
    %broadcast_in_dim3A_16 = vector.shape_cast %reduce_sum3A_15 : vector<128xf32> to vector<1x128xf32>
    %div3A_17 = arith.constant 1.000000e+04 : f32
    %div3A_18 = vector.broadcast %div3A_17 : f32 to vector<1x128xf32>
    %div3A_19 = arith.divf %broadcast_in_dim3A_16, %div3A_18 : vector<1x128xf32>
    %add3A_20 = arith.constant 9.99999974E-6 : f32
    %add3A_21 = vector.broadcast %add3A_20 : f32 to vector<1x128xf32>
    %add3A_22 = arith.addf %div3A_19, %add3A_21 : vector<1x128xf32>
    %sqrt3A = math.sqrt %add3A_22 : vector<1x128xf32>
    %div3A_23 = vector.broadcast %sqrt3A : vector<1x128xf32> to vector<10000x128xf32>
    %div3A_24 = arith.divf %sub3A_13, %div3A_23 : vector<10000x128xf32>
    %get3A_25 = arith.constant 0 : index
    %get3A_26 = vector.load %arg3[%get3A_25] : memref<128xf32, #tpu.memory_space<vmem>>, vector<128xf32>
    %broadcast_in_dim3A_27 = vector.shape_cast %get3A_26 : vector<128xf32> to vector<1x128xf32>
    %mul3A_28 = vector.broadcast %broadcast_in_dim3A_27 : vector<1x128xf32> to vector<10000x128xf32>
    %mul3A_29 = arith.mulf %div3A_24, %mul3A_28 : vector<10000x128xf32>
    %get3A_30 = arith.constant 0 : index
    %get3A_31 = vector.load %arg4[%get3A_30] : memref<128xf32, #tpu.memory_space<vmem>>, vector<128xf32>
    %broadcast_in_dim3A_32 = vector.shape_cast %get3A_31 : vector<128xf32> to vector<1x128xf32>
    %add3A_33 = vector.broadcast %broadcast_in_dim3A_32 : vector<1x128xf32> to vector<10000x128xf32>
    %add3A_34 = arith.addf %mul3A_29, %add3A_33 : vector<10000x128xf32>
    %max3A = arith.constant 0.000000e+00 : f32
    %max3A_35 = vector.broadcast %max3A : f32 to vector<10000x128xf32>
    %max3A_36 = arith.maximumf %add3A_34, %max3A_35 : vector<10000x128xf32>
    %get3A_37 = arith.constant 0 : index
    %get3A_38 = arith.constant 0 : index
    %get3A_39 = vector.load %arg5[%get3A_37, %get3A_38] : memref<128x64xf32, #tpu.memory_space<vmem>>, vector<128x64xf32>
    %dot_general3A_40 = arith.constant dense<0.000000e+00> : vector<10000x64xf32>
    %dot_general3A_41 = tpu.matmul %max3A_36, %get3A_39, %dot_general3A_40 {dimension_numbers = #tpu.dot_dimension_numbers<[1], [0], [0], [1], [0, 0, 1, 1], [], []>, transpose_lhs_hint = false} : vector<10000x128xf32>, vector<128x64xf32>, vector<10000x64xf32> -> vector<10000x64xf32>
    %get3A_42 = arith.constant 0 : index
    %get3A_43 = vector.load %arg6[%get3A_42] : memref<64xf32, #tpu.memory_space<vmem>>, vector<64xf32>
    %broadcast_in_dim3A_44 = vector.shape_cast %get3A_43 : vector<64xf32> to vector<1x64xf32>
    %add3A_45 = vector.broadcast %broadcast_in_dim3A_44 : vector<1x64xf32> to vector<10000x64xf32>
    %add3A_46 = arith.addf %dot_general3A_41, %add3A_45 : vector<10000x64xf32>
    %get3A_47 = arith.constant 0 : index
    %get3A_48 = arith.constant 0 : index
    %get3A_49 = arith.constant 0 : index
    %get3A_50 = vector.load %arg7[%get3A_47, %get3A_48, %get3A_49] : memref<2x10112x16xf32, #tpu.memory_space<vmem>>, vector<1x10112x16xf32>
    %get3A_51 = vector.shape_cast %get3A_50 : vector<1x10112x16xf32> to vector<10112x16xf32>
    %get3A_52 = arith.constant 1 : index
    %get3A_53 = arith.constant 0 : index
    %get3A_54 = arith.constant 0 : index
    %get3A_55 = vector.load %arg7[%get3A_52, %get3A_53, %get3A_54] : memref<2x10112x16xf32, #tpu.memory_space<vmem>>, vector<1x10112x16xf32>
    %get3A_56 = vector.shape_cast %get3A_55 : vector<1x10112x16xf32> to vector<10112x16xf32>
    %add3A_57 = arith.addf %get3A_51, %get3A_56 : vector<10112x16xf32>
    %sqrt3A_58 = math.sqrt %add3A_57 : vector<10112x16xf32>
    %div3A_59 = arith.constant 1.000000e+00 : f32
    %div3A_60 = vector.broadcast %div3A_59 : f32 to vector<10112x16xf32>
    %div3A_61 = arith.divf %div3A_60, %sqrt3A_58 : vector<10112x16xf32>
    %mul3A_62 = arith.constant 0.899999976 : f32
    %mul3A_63 = vector.broadcast %mul3A_62 : f32 to vector<10112x16xf32>
    %mul3A_64 = arith.mulf %mul3A_63, %div3A_61 : vector<10112x16xf32>
    %mul3A_65 = arith.mulf %mul3A_64, %div3A_61 : vector<10112x16xf32>
    %swap3A = arith.constant 0 : index
    %swap3A_66 = arith.constant 0 : index
    %swap3A_67 = vector.load %arg10[%swap3A, %swap3A_66] : memref<10112x16xf32, #tpu.memory_space<vmem>>, vector<10112x16xf32>
    tpu.vector_store %arg10[%swap3A, %swap3A_66], %mul3A_65 {strides = array<i32>} : memref<10112x16xf32, #tpu.memory_space<vmem>>, vector<10112x16xf32>,
    %slice3A = vector.extract_strided_slice %div3A_61 {offsets = [0, 0], sizes = [10000, 1], strides = [1, 1]} : vector<10112x16xf32> to vector<10000x1xf32>
    %mul3A_68 = vector.broadcast %slice3A : vector<10000x1xf32> to vector<10000x64xf32>
    %mul3A_69 = arith.mulf %add3A_46, %mul3A_68 : vector<10000x64xf32>
    %mul3A_70 = arith.constant 1.000000e-01 : f32
    %mul3A_71 = vector.broadcast %mul3A_70 : f32 to vector<10000x64xf32>
    %mul3A_72 = arith.mulf %mul3A_71, %mul3A_69 : vector<10000x64xf32>
    %broadcast_in_dim3A_73 = arith.constant 0.000000e+00 : f32
    %broadcast_in_dim3A_74 = vector.broadcast %broadcast_in_dim3A_73 : f32 to vector<112x32xf32>
    %slice3A_75 = vector.extract_strided_slice %mul3A_69 {offsets = [0, 0], sizes = [10000, 32], strides = [1, 1]} : vector<10000x64xf32> to vector<10000x32xf32>
    %swap3A_76 = arith.constant 0 : index
    %swap3A_77 = arith.constant 0 : index
    %swap3A_78 = vector.load %arg8[%swap3A_76, %swap3A_77] : memref<20224x32xf32, #tpu.memory_space<vmem>>, vector<10000x32xf32>
    tpu.vector_store %arg8[%swap3A_76, %swap3A_77], %slice3A_75 {strides = array<i32>} : memref<20224x32xf32, #tpu.memory_space<vmem>>, vector<10000x32xf32>,
    %swap3A_79 = arith.constant 10000 : index
    %swap3A_80 = arith.constant 0 : index
    %swap3A_81 = vector.load %arg8[%swap3A_79, %swap3A_80] : memref<20224x32xf32, #tpu.memory_space<vmem>>, vector<112x32xf32>
    tpu.vector_store %arg8[%swap3A_79, %swap3A_80], %broadcast_in_dim3A_74 {strides = array<i32>} : memref<20224x32xf32, #tpu.memory_space<vmem>>, vector<112x32xf32>,
    %slice3A_82 = vector.extract_strided_slice %mul3A_69 {offsets = [0, 32], sizes = [10000, 32], strides = [1, 1]} : vector<10000x64xf32> to vector<10000x32xf32>
    %swap3A_83 = arith.constant 10112 : index
    %swap3A_84 = arith.constant 0 : index
    %swap3A_85 = vector.load %arg8[%swap3A_83, %swap3A_84] : memref<20224x32xf32, #tpu.memory_space<vmem>>, vector<10000x32xf32>
    tpu.vector_store %arg8[%swap3A_83, %swap3A_84], %slice3A_82 {strides = array<i32>} : memref<20224x32xf32, #tpu.memory_space<vmem>>, vector<10000x32xf32>,
    %swap3A_86 = arith.constant 20112 : index
    %swap3A_87 = arith.constant 0 : index
    %swap3A_88 = vector.load %arg8[%swap3A_86, %swap3A_87] : memref<20224x32xf32, #tpu.memory_space<vmem>>, vector<112x32xf32>
    tpu.vector_store %arg8[%swap3A_86, %swap3A_87], %broadcast_in_dim3A_74 {strides = array<i32>} : memref<20224x32xf32, #tpu.memory_space<vmem>>, vector<112x32xf32>,
    %slice3A_89 = vector.extract_strided_slice %mul3A_72 {offsets = [0, 0], sizes = [10000, 32], strides = [1, 1]} : vector<10000x64xf32> to vector<10000x32xf32>
    %swap3A_90 = arith.constant 0 : index
    %swap3A_91 = arith.constant 0 : index
    %swap3A_92 = vector.load %arg9[%swap3A_90, %swap3A_91] : memref<20224x32xf32, #tpu.memory_space<vmem>>, vector<10000x32xf32>
    tpu.vector_store %arg9[%swap3A_90, %swap3A_91], %slice3A_89 {strides = array<i32>} : memref<20224x32xf32, #tpu.memory_space<vmem>>, vector<10000x32xf32>,
    %swap3A_93 = arith.constant 10000 : index
    %swap3A_94 = arith.constant 0 : index
    %swap3A_95 = vector.load %arg9[%swap3A_93, %swap3A_94] : memref<20224x32xf32, #tpu.memory_space<vmem>>, vector<112x32xf32>
    tpu.vector_store %arg9[%swap3A_93, %swap3A_94], %broadcast_in_dim3A_74 {strides = array<i32>} : memref<20224x32xf32, #tpu.memory_space<vmem>>, vector<112x32xf32>,
    %slice3A_96 = vector.extract_strided_slice %mul3A_72 {offsets = [0, 32], sizes = [10000, 32], strides = [1, 1]} : vector<10000x64xf32> to vector<10000x32xf32>
    %swap3A_97 = arith.constant 10112 : index
    %swap3A_98 = arith.constant 0 : index
    %swap3A_99 = vector.load %arg9[%swap3A_97, %swap3A_98] : memref<20224x32xf32, #tpu.memory_space<vmem>>, vector<10000x32xf32>
    tpu.vector_store %arg9[%swap3A_97, %swap3A_98], %slice3A_96 {strides = array<i32>} : memref<20224x32xf32, #tpu.memory_space<vmem>>, vector<10000x32xf32>,
    %swap3A_100 = arith.constant 20112 : index
    %swap3A_101 = arith.constant 0 : index
    %swap3A_102 = vector.load %arg9[%swap3A_100, %swap3A_101] : memref<20224x32xf32, #tpu.memory_space<vmem>>, vector<112x32xf32>
    tpu.vector_store %arg9[%swap3A_100, %swap3A_101], %broadcast_in_dim3A_74 {strides = array<i32>} : memref<20224x32xf32, #tpu.memory_space<vmem>>, vector<112x32xf32>,
    return
  }
}

module attributes {stable_mosaic.version = 14 : i64} {
  func.func @_final_body(%arg0: memref<20224x32xf32, #tpu.memory_space<vmem>>, %arg1: memref<2x10112x16xf32, #tpu.memory_space<vmem>>, %arg2: memref<10000x64xf32, #tpu.memory_space<vmem>>) attributes {dimension_semantics = [], scalar_prefetch = 0 : i64, scratch_operands = 0 : i64, tpu.core_type = #tpu.core_type<tc>} {
    %get3A = arith.constant 0 : index
    %get3A_0 = arith.constant 0 : index
    %get3A_1 = arith.constant 0 : index
    %get3A_2 = vector.load %arg1[%get3A, %get3A_0, %get3A_1] : memref<2x10112x16xf32, #tpu.memory_space<vmem>>, vector<1x10112x16xf32>
    %get3A_3 = vector.shape_cast %get3A_2 : vector<1x10112x16xf32> to vector<10112x16xf32>
    %get3A_4 = arith.constant 1 : index
    %get3A_5 = arith.constant 0 : index
    %get3A_6 = arith.constant 0 : index
    %get3A_7 = vector.load %arg1[%get3A_4, %get3A_5, %get3A_6] : memref<2x10112x16xf32, #tpu.memory_space<vmem>>, vector<1x10112x16xf32>
    %get3A_8 = vector.shape_cast %get3A_7 : vector<1x10112x16xf32> to vector<10112x16xf32>
    %add3A = arith.addf %get3A_3, %get3A_8 : vector<10112x16xf32>
    %slice3A = vector.extract_strided_slice %add3A {offsets = [0, 0], sizes = [10000, 1], strides = [1, 1]} : vector<10112x16xf32> to vector<10000x1xf32>
    %sqrt3A = math.sqrt %slice3A : vector<10000x1xf32>
    %get3A_9 = arith.constant 0 : index
    %get3A_10 = arith.constant 0 : index
    %get3A_11 = vector.load %arg0[%get3A_9, %get3A_10] : memref<20224x32xf32, #tpu.memory_space<vmem>>, vector<10000x32xf32>
    %get3A_12 = arith.constant 10112 : index
    %get3A_13 = arith.constant 0 : index
    %get3A_14 = vector.load %arg0[%get3A_12, %get3A_13] : memref<20224x32xf32, #tpu.memory_space<vmem>>, vector<10000x32xf32>
    %concatenate3A = tpu.concatenate %get3A_11, %get3A_14 in 1 : vector<10000x32xf32>, vector<10000x32xf32> -> vector<10000x64xf32>
    %mul3A = vector.broadcast %sqrt3A : vector<10000x1xf32> to vector<10000x64xf32>
    %mul3A_15 = arith.mulf %concatenate3A, %mul3A : vector<10000x64xf32>
    %reduce_max3A = arith.constant dense<0xFF800000> : vector<10000xf32>
    %reduce_max3A_16 = vector.multi_reduction <maximumf>, %mul3A_15, %reduce_max3A [1] : vector<10000x64xf32> to vector<10000xf32>
    %broadcast_in_dim3A = vector.shape_cast %reduce_max3A_16 : vector<10000xf32> to vector<10000x1xf32>
    %sub3A = vector.broadcast %broadcast_in_dim3A : vector<10000x1xf32> to vector<10000x64xf32>
    %sub3A_17 = arith.subf %mul3A_15, %sub3A : vector<10000x64xf32>
    %exp3A = math.exp %sub3A_17 : vector<10000x64xf32>
    %reduce_sum3A = arith.constant dense<0.000000e+00> : vector<10000xf32>
    %reduce_sum3A_18 = vector.multi_reduction <add>, %exp3A, %reduce_sum3A [1] : vector<10000x64xf32> to vector<10000xf32>
    %broadcast_in_dim3A_19 = vector.shape_cast %reduce_sum3A_18 : vector<10000xf32> to vector<10000x1xf32>
    %log3A = math.log %broadcast_in_dim3A_19 : vector<10000x1xf32>
    %sub3A_20 = vector.broadcast %log3A : vector<10000x1xf32> to vector<10000x64xf32>
    %sub3A_21 = arith.subf %sub3A_17, %sub3A_20 : vector<10000x64xf32>
    %swap3A = arith.constant 0 : index
    %swap3A_22 = arith.constant 0 : index
    %swap3A_23 = vector.load %arg2[%swap3A, %swap3A_22] : memref<10000x64xf32, #tpu.memory_space<vmem>>, vector<10000x64xf32>
    tpu.vector_store %arg2[%swap3A, %swap3A_22], %sub3A_21 {strides = array<i32>} : memref<10000x64xf32, #tpu.memory_space<vmem>>, vector<10000x64xf32>,
    return
  }
}

</mosaic_0001>

<sc_bundles>
// kernel: kernel.6.cloned.1.call-start
scs
__scs_entry_jumppad:
0x0: {  	(pc) =	sbr.rel $0x88, $3  }
0x1: {  	(tag) =	ssettag $0x0;
	lr =	simm.s32 $0x1  }
0x2: {  	[smem:$0x3F99] =	sst lr;
	_ =	strace $0xD0000000  }
0x3: {  	_ = 	snop  }
0x4: {  	_ = 	snop  }
0x5: {  	_ = 	snop  }
0x6: {  	_ = 	snop  }
0x7: {  	_ = 	snop  }
__scs_overlays_trampoline_lowered:
0x8: {  	[smem:$0x3FA8] =	sst s0  }
0x9: {  	[smem:$0x3FA9] =	sst s1  }
0xa: {  	[smem:$0x3FAA] =	sst s2  }
0xb: {  	[smem:$0x3FAB] =	sst s3  }
0xc: {  	[smem:$0x3FAC] =	sst s4  }
0xd: {  	[smem:$0x3FAD] =	sst s5  }
0xe: {  	[smem:$0x3FAE] =	sst s6  }
0xf: {  	[smem:$0x3FAF] =	sst s7  }
0x10: {  	[smem:$0x3FB0] =	sst s8  }
0x11: {  	[smem:$0x3FB1] =	sst s9;
	s0 =	simm.s32 @!p0 $0x0  }
0x12: {  	s1 =	sld [smem:$0x3F97];
	s0 =	simm.s32 @p0 $0x1  }
0x13: {  	[smem:$0x3FB2] =	sst s0;
	s0 =	simm.s32 @!p1 $0x0  }
0x14: {  	s2 =	sld [smem:$0x3F96];
	s0 =	simm.s32 @p1 $0x1  }
0x15: {  	[smem:$0x3FB3] =	sst s0;
	s0 =	simm.s32 @!p2 $0x0  }
0x16: {  	s3 =	sld [smem:$0x3FDB];
	s0 =	simm.s32 @p2 $0x1  }
0x17: {  	s4 =	simm.s32 $0x1BF5;
	[smem:$0x3FB5] =	sst s0  }
0x18: {  	s0 =	sld [smem:$0x3F98];
	_ =	swait.ge [sflag:s4], $0x0  }
0x19: {  	s7 =	sld [smem:$0x3F99]  }
0x1a: {  	s8 =	sadd.s32 $0xFFFFE003, lr  }
0x1b: {  	s9 =	sadd.s32 $0xFFFFFEF7, lr;
	s5 =	simm.s32 $0xFFFFFFFF;
	p2 =	slt.u32 s8, $0xFFFFF086  }
0x1c: {  	p1 =	slt.u32 s9, $0xF7A;
	s5 =	simm.s32 @!p2 $0x0  }
0x1d: {  	s5 =	simm.s32 @p1 $0x1;
	p0 =	seq.s32 s7, s2  }
0x1e: {  	s7 =	smul.u32 @!p0 $0xF7A, s2;
	p2 =	seq.s32 @!p0 s5, $0x0  }
0x1f: {  	s9 =	smul.u32 $0xF7A, s1;
	s8 =	simm.s32 @!p0 $0x1BF5;
	p2 =	por !p2, p0  }
0x20: {  	[sflag:s8] =	ssyncset.s32 @!p0 $0xFFFFF086;
	s6 =	sadd.s32 @!p0 s3, s7;
	s7 =	simm.s32 @!p0 $0x108  }
0x21: {  	s3 =	sadd.s32 s3, s9;
	s6 =	sadd.s32 @!p0 $0x88, s6;
	s7 =	simm.s32 @p2 $0x1082  }
0x22: {  	[simem:s7], [sflag:s8] =	dma.local @!p0 [hbm:s6], $0xF7A  }
0x23: {  	s9 =	sor.u32 $0xD0000000, s2;
	s6 =	simm.s32 $0x108;
	_ =	swait.ge @!p0 [sflag:s8], $0x0  }
0x24: {  	s3 =	sadd.s32 $0x88, s3;
	s6 =	simm.s32 @!p1 $0x1082;
	[sflag:s4] =	ssyncset.s32 $0xFFFFF086  }
0x25: {  	[simem:s6], [sflag:s4] =	dma.local [hbm:s3], $0xF7A  }
0x26: {  	[smem:$0x3F99] =	sst s1;
	(tag) =	ssettag s2;
	_ =	strace s9  }
0x27: {  	s1 =	sld [smem:$0x3FA9]  }
0x28: {  	s2 =	sld [smem:$0x3FAA]  }
0x29: {  	s4 =	sld [smem:$0x3FAC]  }
0x2a: {  	p0 =	seq.s32 s5, $0x0;
	s5 =	sld [smem:$0x3FAD]  }
0x2b: {  	s6 =	sld [smem:$0x3FAE]  }
0x2c: {  	s7 =	sld [smem:$0x3FAF]  }
0x2d: {  	s3 =	simm.s32 $0x108;
	s8 =	sld [smem:$0x3FB0]  }
0x2e: {  	s3 =	simm.s32 @!p0 $0x1082;
	s9 =	sld [smem:$0x3FB1]  }
0x2f: {  	lr =	sadd.s32 s0, s3;
	s0 =	sld [smem:$0x3FA8]  }
0x30: {  	s3 =	sld [smem:$0x3FAB]  }
0x31: {  	[smem:$0x3FB4] =	sst s10  }
0x32: {  	s10 =	sld [smem:$0x3FB2];
	_ =	sdelay $0x3  }
0x33: {  	p0 =	seq.s32 s10, $0x1;
	s10 =	sld [smem:$0x3FB4];
	_ =	sdelay $0x3  }
0x34: {  	[smem:$0x3FB4] =	sst s10  }
0x35: {  	s10 =	sld [smem:$0x3FB3];
	_ =	sdelay $0x3  }
0x36: {  	p1 =	seq.s32 s10, $0x1;
	s10 =	sld [smem:$0x3FB4];
	_ =	sdelay $0x3  }
0x37: {  	[smem:$0x3FB4] =	sst s10  }
0x38: {  	s10 =	sld [smem:$0x3FB5]  }
0x39: {  	_ = 	snop;
	(pc) =	sbr.ind lr, $3  }
0x3a: {  	_ = 	snop  }
0x3b: {  	_ = 	snop  }
0x3c: {  	p2 =	seq.s32 s10, $0x1;
	s10 =	sld [smem:$0x3FB4]  }
0x3d: {  	_ =	shalt  }
0x3e: {  	_ =	shalt  }
0x3f: {  	_ =	shalt  }
0x40: {  	_ =	shalt  }
0x41: {  	_ =	shalt  }
0x42: {  	_ =	shalt  }
0x43: {  	_ =	shalt  }
0x44: {  	_ =	shalt  }
0x45: {  	_ =	shalt  }
0x46: {  	_ =	shalt  }
0x47: {  	_ =	shalt  }
0x48: {  	_ =	shalt  }
0x49: {  	_ =	shalt  }
0x4a: {  	_ =	shalt  }
0x4b: {  	_ =	shalt  }
0x4c: {  	_ =	shalt  }
0x4d: {  	_ =	shalt  }
0x4e: {  	_ =	shalt  }
0x4f: {  	_ =	shalt  }
0x50: {  	_ =	shalt  }
0x51: {  	_ =	shalt  }
0x52: {  	_ =	shalt  }
0x53: {  	_ =	shalt  }
0x54: {  	_ =	shalt  }
0x55: {  	_ =	shalt  }
0x56: {  	_ =	shalt  }
0x57: {  	_ =	shalt  }
0x58: {  	_ =	shalt  }
0x59: {  	_ =	shalt  }
0x5a: {  	_ =	shalt  }
0x5b: {  	_ =	shalt  }
0x5c: {  	_ =	shalt  }
0x5d: {  	_ =	shalt  }
0x5e: {  	_ =	shalt  }
0x5f: {  	_ =	shalt  }
0x60: {  	_ =	shalt  }
0x61: {  	_ =	shalt  }
0x62: {  	_ =	shalt  }
0x63: {  	_ =	shalt  }
0x64: {  	_ =	shalt  }
0x65: {  	_ =	shalt  }
0x66: {  	_ =	shalt  }
0x67: {  	_ =	shalt  }
0x68: {  	_ =	shalt  }
0x69: {  	_ =	shalt  }
0x6a: {  	_ =	shalt  }
0x6b: {  	_ =	shalt  }
0x6c: {  	_ =	shalt  }
0x6d: {  	_ =	shalt  }
0x6e: {  	_ =	shalt  }
0x6f: {  	_ =	shalt  }
0x70: {  	_ =	shalt  }
0x71: {  	_ =	shalt  }
0x72: {  	_ =	shalt  }
0x73: {  	_ =	shalt  }
0x74: {  	_ =	shalt  }
0x75: {  	_ =	shalt  }
0x76: {  	_ =	shalt  }
0x77: {  	_ =	shalt  }
0x78: {  	_ =	shalt  }
0x79: {  	_ =	shalt  }
0x7a: {  	_ =	shalt  }
0x7b: {  	_ =	shalt  }
0x7c: {  	_ =	shalt  }
0x7d: {  	_ =	shalt  }
0x7e: {  	_ =	shalt  }
0x7f: {  	_ =	shalt  }
0x80: {  	_ =	shalt  }
0x81: {  	_ =	shalt  }
0x82: {  	_ =	shalt  }
0x83: {  	_ =	shalt  }
0x84: {  	_ =	shalt  }
0x85: {  	_ =	shalt  }
0x86: {  	_ =	shalt  }
0x87: {  	_ =	shalt  }
.Lfunc_end0:
.L_simem_size_0:
called_computation_lowered:
.L_overlay_start_0:
0x88: {  	s2 =	sld [smem:$0x3FD9]  }
0x89: {  	s3 =	sld [smem:$0x3FFE];
	_ =	sdelay $0x1  }
0x8a: {  	s1 =	srdreg.scid  }
0x8b: {  	s0 =	sand.u32 $0x1, s1  }
0x8c: {  	s17 =	sshll.u32 s0, $0xA;
	s2 =	sadd.s32 s3, s2  }
0x8d: {  	s2 =	sadd.s32 s2, s17  }
0x8e: {  	[smem:$0x3FC0] =	sst s2  }
0x8f: {  	_ = 	snop  }
0x90: {  	s2 =	sld [smem:$0x3FD0];
	(tm) =	ssettm $0x1  }
0x91: {  	s18 =	sld [smem:$0x3FFB];
	_ =	sdelay $0x3  }
0x92: {  	_ =	strace s18  }
0x93: {  	s3 =	sld [smem:$0x3FFC];
	_ =	sdelay $0x3  }
0x94: {  	_ =	strace s3  }
0x95: {  	s3 =	sld [smem:$0x3FFD];
	_ =	sdelay $0x3  }
0x96: {  	_ =	strace s3  }
0x97: {  	_ =	strace $0x8FFFFFFF  }
0x98: {  	s19 =	sld [smem:$0x3FDB];
	_ =	sdelay $0x1  }
0x99: {  	s4 =	simm.s32 $_scs_section_size  }
0x9a: {  	s5 =	simm.s32 $_size__tile_overlayer_lowered;
	s6 =	simm.s32 $_tile_overlayer_lowered  }
0x9b: {  	s22 =	simm.s32 $0x1BFF;
	s21 =	sshll.u32 s6, $0x1;
	s3 =	sadd.s32 s4, s19  }
0x9c: {  	s7 =	simm.s32 $0x0;
	s20 =	sshll.u32 s5, $0x1;
	s5 =	sadd.s32 s21, s3  }
0x9d: {  	[timem:s7], [sflag:s22] =	dma.local [hbm:s5], s20  }
0x9e: {  	_ =	swait.ge [sflag:s22], s20  }
0x9f: {  	s4 =	ssub.s32 $0x0, s20;
	[sflag:s22] =	ssyncset.done $0x0  }
0xa0: {  	[sflag:s22] =	ssyncadd.s32 s4;
	_ =	sdelay $0x1  }
0xa1: {  	s23 =	simm.s32 $0x1B8B  }
0xa2: {  	_ =	swait.ge [sflag:s23], $0x1  }
0xa3: {  	[sflag:s23] =	ssyncset.done $0x0  }
0xa4: {  	s25 =	simm.s32 $0x1B8E;
	s24 =	sld [smem:$0x3FFE];
	[sflag:s23] =	ssyncadd.s32 $0xFFFFFFFF  }
0xa5: {  	s26 =	simm.s32 $execute0_lowered;
	[smem:$0x3FD2] =	sst s25  }
0xa6: {  	s5 =	sshll.u32 s26, $0x1;
	_ =	strace $0x80000046;
	[dreg:$0x1] =	wrdreg $0xFFFFFFFF  }
0xa7: {  	s28 =	simm.s32 $_size_execute0_lowered;
	s3 =	sadd.s32 s3, s5;
	[dreg:$0x0] =	wrdreg $0x0  }
0xa8: {  	s5 =	sshll.u32 s28, $0x1;
	[dreg:$0x2] =	wrdreg s3  }
0xa9: {  	[dreg:$0x3] =	wrdreg s5  }
0xaa: {  	[dreg:$0x4] =	wrdreg $0xC0  }
0xab: {  	_ =	task [dreg:s7], $0x5FFFF  }
0xac: {  	[dreg:$0x1] =	wrdreg $0xFFFFFFFF  }
0xad: {  	[dreg:$0x0] =	wrdreg $0x60  }
0xae: {  	[dreg:$0x2] =	wrdreg s24  }
0xaf: {  	[dreg:$0x3] =	wrdreg s2  }
0xb0: {  	[dreg:$0x4] =	wrdreg $0x43A00  }
0xb1: {  	[dreg:$0x5] =	wrdreg $0x9  }
0xb2: {  	_ =	task.clear_ibuf [dreg:s7], $0x6FFFF;
	_ =	strace $0x90000046  }
0xb3: {  	s29 =	simm.s32 $0x9;
	_ =	strace $0x80000048  }
0xb4: {  	_ =	swait.ge [sflag:s29], $0x1  }
0xb5: {  	[sflag:s29] =	ssyncadd.s32 $0xFFFFFFFF  }
0xb6: {  	_ =	strace $0x90000048  }
0xb7: {  	_ =	sfence  }
0xb8: {  	s30 =	sld [smem:$0x0];
	_ =	sdelay $0x2  }
0xb9: {  	s31 =	sshll.u32 s1, $0xD;
	s1 =	sshrl.u32 s1, $0x2  }
0xba: {  	s3 =	sand.u32 $0x4000, s31;
	s1 =	sadd.s32 s1, s30  }
0xbb: {  	s0 =	sor.u32 s3, s0;
	s1 =	sshll.u32 s1, $0x11  }
0xbc: {  	s0 =	sor.u32 s1, s0  }
0xbd: {  	s0 =	sadd.s32 $0x8F2B, s0  }
0xbe: {  	[sflag:s0] =	ssyncadd.remote.s32 $0x1  }
0xbf: {  	_ =	sfence.sel $0xFFFF  }
0xc0: {  	[dreg:$0x0] =	wrdreg $0xFFFFFFFF;
	(pc) =	sbr.abs _section_cstart, $3  }
0xc1: {  	[dreg:$0x1] =	wrdreg $0xFFFFFFFF  }
0xc2: {  	_ =	task.clear_ibuf [dreg:s7], $0x2FFFF;
	_ =	strace $0x9FFFFFFF  }
0xc3: {  	(tm) =	ssettm $0x7FFFFFFF  }
tec
execute0_lowered:
.L_overlay_start_1:
0x0: {  	(tag) =	ssettag $0x1  }
0x1: {  	s4 =	rddreg [dreg:$0x0]  }
0x2: {  	s1 =	srdreg.scid;
	s6 =	rddreg [dreg:$0x1]  }
0x3: {  	s0 =	stileid.u32;
	s2 =	rddreg [dreg:$0x2]  }
0x4: {  	s3 =	simm.s32 $0x0;
	s14 =	simm.s32 $0x320;
	s15 =	simm.s32 $0x2  }
0x5: {  	s16 =	simm.s32 $0x0;
	s10 =	sand.u32 $0x1, s1;
	s7 =	smul.u32 $0x2780, s0  }
0x6: {  	s28 =	sshll.u32 s0, $0x1;
	[smem:$0x7FF] =	sst s3;
	s11 =	smul.u32 $0x4E20, s0  }
0x7: {  	s12 =	sadd.s32 $0x2A00, s4;
	s1 =	sor.u32 s10, s28;
	s8 =	smul.u32 $0x27800, s10  }
0x8: {  	s9 =	ssub.s32 $0x2, s10;
	s13 =	smul.u32 $0x2710, s10;
	p0 =	sne.s32 s10, $0x0  }
0x9: {  	s10 =	simm.s32 $0x1C20;
	s5 =	smul.u32 $0x2710, s1;
	s1 =	rddreg [dreg:$0x3]  }
0xa: {  	_ =	strace $0x80000047;
	s29 =	sshrl.u32 s9, $0x1;
	s4 =	sadd.s32 s7, s2  }
0xb: {  	s9 =	ssub.s32 s9, s29;
	s7 =	sadd.s32 s7, s8;
	s30 =	sadd.s32 s13, s11  }
0xc: {  	s5 =	sshrl.u32 s5, $0x3;
	s7 =	sshrl.u32 s7, $0x3;
	s11 =	sadd.s32 $0x4E520, s30  }
0xd: {  	s13 =	sadd.s32 $0x4E390, s30;
	s5 =	sadd.s32 s12, s5;
	s6 =	sadd.s32 s6, s7  }
0xe: {  	s11 =	sshrl.u32 s11, $0x3;
	s7 =	smax.u32 s9, $0x1;
	s31 =	sshrl.u32 s13, $0x3  }
0xf: {  	s13 =	simm.s32 $0x190;
	s5 =	sadd.s32 $0x9C40, s5;
	s8 =	sadd.s32 s11, s12  }
0x10: {  	v0 =	vimm.f32 $1.000000000e+00;
	v1 =	vimm.f32 $0.0e+00;
	s9 =	sadd.s32 s31, s12;
	s11 =	simm.s32 $0x3;
	s12 =	simm.s32 $0x1  }
.LBB2_1:
0x11: {  	s17 =	simm.s32 $0x0  }
.LBB2_2:
0x12: {  	p1 =	sne.s32 s17, $0x63C0  }
.Ltmp0:
0x13: {  	_ = 	snop;
	(pc) =	sbr.rel @p1 .LBB2_2-.Ltmp0, $3  }
0x14: {  	_ =	sdelay $0x1  }
0x15: {  	s18 =	sshra.s32 s17, $0x2  }
0x16: {  	s17 =	sadd.s32 $0x40, s17;
	[tilespmem:s18+$0x320] =	vst v0  }
0x17: {  	s17 =	simm.s32 $0x40;
	s18 =	simm.s32 $0x0  }
.LBB2_4:
0x18: {  	p1 =	sne.s32 s17, $0x9DC0;
	[tilespmem:s18+$0x1C20] =	vst v1;
	s18 =	smov.u32 s17;
	s17 =	sadd.s32 $0x40, s17  }
.Ltmp1:
0x19: {  	(pc) =	sbr.rel @p1 .LBB2_4-.Ltmp1, $2  }
0x1a: {  	_ =	sdelay $0x2  }
0x1b: {  	s18 =	sshra.s32 s18, $0x2  }
.Ltmp2:
0x1c: {  	(pc) =	sbr.rel @p0 .LBB2_9-.Ltmp2, $2  }
0x1d: {  	_ =	sdelay $0x2  }
0x1e: {  	[tilespmem:s18+$0x1C20] =	vst v1;
	s17 =	simm.s32 $0x0  }
0x1f: {  	s18 =	simm.s32 $0x40;
	s19 =	simm.s32 $0x0  }
.LBB2_7:
0x20: {  	p1 =	sne.s32 s18, $0x9DC0;
	[tilespmem:s19+$0x1C20] =	vst v0;
	s19 =	smov.u32 s18;
	s18 =	sadd.s32 $0x40, s18  }
.Ltmp3:
0x21: {  	(pc) =	sbr.rel @p1 .LBB2_7-.Ltmp3, $2  }
0x22: {  	_ =	sdelay $0x2  }
0x23: {  	s19 =	sshra.s32 s19, $0x2  }
0x24: {  	[tilespmem:s19+$0x1C20] =	vst v0  }
.LBB2_9:
0x25: {  	[spmem:s4] =	stream.linear.scatter [tilespmem:s10], [sflag:$0x3], $0x2780, $0x38;
	[tilespmem:$0x6B30] =	vst v63  }
0x26: {  	_ =	swait.ge [sflag:s11], $0x2780  }
0x27: {  	[sflag:s11] =	ssyncset.done $0x0  }
0x28: {  	[sflag:s11] =	ssyncadd.s32 $0xFFFFD880  }
0x29: {  	[bflag:$0x0] =	sbarrier.arrive $0xFFFF  }
0x2a: {  	[tilespmem:s17], [sflag:$0x1] =	stream.linear.gather [hbm4b:s5+s17], $0x190, $0x38;
	[tilespmem:$0x6B30] =	vst v63  }
0x2b: {  	_ =	swait.ge [sflag:s12], $0x190  }
0x2c: {  	[sflag:s12] =	ssyncset.done $0x0  }
0x2d: {  	s30 =	sadd.s32 $0x0, s9;
	[sflag:s12] =	ssyncadd.s32 $0xFFFFFE70  }
0x2e: {  	[tilespmem:s13], [sflag:$0x2] =	stream.linear.gather [hbm4b:s30+s3], $0x190, $0x38;
	[tilespmem:$0x6B30] =	vst v63  }
0x2f: {  	_ = 	snop  }
0x30: {  	[spmem:s2] =	stream.indirect.scatter.add.f32 [tilespmem:s14], [sflag:$0x3], $0x10, s3, s13, $0xb8;
	[tilespmem:$0x6B30] =	vst v63  }
0x31: {  	_ =	swait.ge [sflag:s11], $0x1900  }
0x32: {  	[sflag:s11] =	ssyncset.done $0x0  }
0x33: {  	[sflag:s11] =	ssyncadd.s32 $0xFFFFE700  }
0x34: {  	_ =	swait.ge [sflag:s15], $0x190  }
0x35: {  	[sflag:s15] =	ssyncset.done $0x0  }
0x36: {  	s31 =	sadd.s32 $0x0, s8;
	[sflag:s15] =	ssyncadd.s32 $0xFFFFFE70  }
0x37: {  	[tilespmem:s3], [sflag:$0x1] =	stream.linear.gather [hbm4b:s31+s3], $0x190, $0x38;
	[tilespmem:$0x6B30] =	vst v63  }
0x38: {  	_ = 	snop  }
0x39: {  	[spmem:s2] =	stream.indirect.scatter.add.f32 [tilespmem:s14], [sflag:$0x3], $0x10, s13, s13, $0xb8;
	[tilespmem:$0x6B30] =	vst v63  }
0x3a: {  	_ =	swait.ge [sflag:s11], $0x1900  }
0x3b: {  	s17 =	simm.s32 $0x64;
	[sflag:s11] =	ssyncset.done $0x0  }
.LBB2_10:
0x3c: {  	p1 =	sne.s32 s17, $0x44C  }
0x3d: {  	[sflag:s11] =	ssyncadd.s32 $0xFFFFE700;
	s18 =	smov.u32 s17;
	s17 =	sadd.s32 $0x64, s17  }
0x3e: {  	_ = 	snop  }
0x3f: {  	_ =	swait.ge [sflag:s12], $0x190  }
0x40: {  	[sflag:s12] =	ssyncset.done $0x0  }
0x41: {  	s19 =	sadd.s32 s18, s9;
	[sflag:s12] =	ssyncadd.s32 $0xFFFFFE70  }
0x42: {  	[tilespmem:s13], [sflag:$0x2] =	stream.linear.gather [hbm4b:s19+s3], $0x190, $0x38;
	[tilespmem:$0x6B30] =	vst v63  }
0x43: {  	_ = 	snop  }
0x44: {  	[spmem:s2] =	stream.indirect.scatter.add.f32 [tilespmem:s14], [sflag:$0x3], $0x10, s3, s13, $0xb8;
	[tilespmem:$0x6B30] =	vst v63  }
0x45: {  	_ =	swait.ge [sflag:s11], $0x1900  }
0x46: {  	[sflag:s11] =	ssyncset.done $0x0  }
0x47: {  	[sflag:s11] =	ssyncadd.s32 $0xFFFFE700  }
0x48: {  	_ =	swait.ge [sflag:s15], $0x190  }
0x49: {  	[sflag:s15] =	ssyncset.done $0x0  }
0x4a: {  	s18 =	sadd.s32 s18, s8;
	[sflag:s15] =	ssyncadd.s32 $0xFFFFFE70  }
0x4b: {  	[tilespmem:s3], [sflag:$0x1] =	stream.linear.gather [hbm4b:s18+s3], $0x190, $0x38;
	[tilespmem:$0x6B30] =	vst v63  }
.Ltmp4:
0x4c: {  	_ = 	snop;
	(pc) =	sbr.rel @p1 .LBB2_10-.Ltmp4, $4  }
0x4d: {  	_ = 	snop  }
0x4e: {  	[spmem:s2] =	stream.indirect.scatter.add.f32 [tilespmem:s14], [sflag:$0x3], $0x10, s13, s13, $0xb8;
	[tilespmem:$0x6B30] =	vst v63  }
0x4f: {  	_ =	swait.ge [sflag:s11], $0x1900  }
0x50: {  	[sflag:s11] =	ssyncset.done $0x0  }
0x51: {  	[sflag:s11] =	ssyncadd.s32 $0xFFFFE700  }
0x52: {  	_ =	swait.ge [sflag:s12], $0x190  }
0x53: {  	[sflag:s12] =	ssyncset.done $0x0  }
0x54: {  	[sflag:s12] =	ssyncadd.s32 $0xFFFFFE70  }
0x55: {  	[spmem:s2] =	stream.indirect.scatter.add.f32 [tilespmem:s14], [sflag:$0x3], $0x10, s3, s13, $0xb8;
	[tilespmem:$0x6B30] =	vst v63  }
0x56: {  	_ =	swait.ge [sflag:s11], $0x1900  }
0x57: {  	[sflag:s11] =	ssyncset.done $0x0  }
0x58: {  	[sflag:s11] =	ssyncadd.s32 $0xFFFFE700  }
0x59: {  	[bflag:$0x0] =	sbarrier.arrive $0xFFFF  }
0x5a: {  	[tilespmem:s10], [sflag:$0x3] =	stream.linear.gather [spmem:s4], $0x2780, $0x38;
	[tilespmem:$0x6B30] =	vst v63  }
0x5b: {  	s16 =	sadd.s32 $0x1, s16;
	_ =	swait.ge [sflag:s11], $0x2780  }
0x5c: {  	p1 =	sne.s32 s16, s7;
	[sflag:s11] =	ssyncset.done $0x0  }
.Ltmp5:
0x5d: {  	[sflag:s11] =	ssyncadd.s32 $0xFFFFD880;
	(pc) =	sbr.rel @p1 .LBB2_1-.Ltmp5, $4  }
0x5e: {  	[hbm4b:s6+s3] =	stream.linear.scatter [tilespmem:s10], [sflag:$0x3], $0x2780, $0x38;
	[tilespmem:$0x6B30] =	vst v63  }
0x5f: {  	_ =	swait.ge [sflag:s11], $0x2780  }
0x60: {  	[sflag:s11] =	ssyncset.done $0x0  }
0x61: {  	[sflag:s11] =	ssyncadd.s32 $0xFFFFD880  }
0x62: {  	_ =	sfence.sel $0x180000  }
0x63: {  	[bflag:$0x0] =	sbarrier.arrive $0xFFFF  }
0x64: {  	p0 =	sne.s32 s0, $0x0;
	_ =	strace $0x90000047  }
0x65: {  	s0 =	sadd.s32 @!p0 $0x100000, s1;
	[bflag:$0x2] =	sbarrier.arrive $0xFFFF  }
0x66: {  	[sflag:s0] =	ssyncadd.tile.s32 @!p0 $0x1;
	_ =	shalt  }
.Lfunc_end2:
_tile_overlayer_lowered:
.L_overlay_start_2:
0x67: {  	(tag) =	ssettag $0x2  }
0x68: {  	s0 =	rddreg [dreg:$0x0];
	s2 =	stileid.u32  }
0x69: {  	s1 =	rddreg [dreg:$0x1];
	p0 =	sne.s32 s2, $0x0  }
0x6a: {  	s3 =	rddreg [dreg:$0x2];
	[bflag:$0x3] =	sbarrier.arrive $0xFFFF;
	s2 =	simm.s32 @!p0 $0x1C03  }
0x6b: {  	[timem:s3], [sflag:s2] =	dma.local @!p0 [hbm:s0], s1  }
0x6c: {  	s0 =	simm.s32 @!p0 $0x3  }
0x6d: {  	_ =	swait.ge @!p0 [sflag:s0], s1  }
0x6e: {  	s1 =	ssub.s32 @!p0 $0x0, s1;
	[sflag:s0] =	ssyncset.done @!p0 $0x0  }
0x6f: {  	[sflag:s0] =	ssyncadd.s32 @!p0 s1  }
0x70: {  	[bflag:$0x3] =	sbarrier.arrive $0xFFFF  }
0x71: {  	_ =	shalt  }

// kernel: kernel.9.cloned.1.call-start
scs
__scs_entry_jumppad:
0x0: {  	(pc) =	sbr.rel $0x88, $3  }
0x1: {  	(tag) =	ssettag $0x0;
	lr =	simm.s32 $0x1  }
0x2: {  	[smem:$0x3F99] =	sst lr;
	_ =	strace $0xD0000000  }
0x3: {  	_ = 	snop  }
0x4: {  	_ = 	snop  }
0x5: {  	_ = 	snop  }
0x6: {  	_ = 	snop  }
0x7: {  	_ = 	snop  }
__scs_overlays_trampoline_lowered:
0x8: {  	[smem:$0x3FA8] =	sst s0  }
0x9: {  	[smem:$0x3FA9] =	sst s1  }
0xa: {  	[smem:$0x3FAA] =	sst s2  }
0xb: {  	[smem:$0x3FAB] =	sst s3  }
0xc: {  	[smem:$0x3FAC] =	sst s4  }
0xd: {  	[smem:$0x3FAD] =	sst s5  }
0xe: {  	[smem:$0x3FAE] =	sst s6  }
0xf: {  	[smem:$0x3FAF] =	sst s7  }
0x10: {  	[smem:$0x3FB0] =	sst s8  }
0x11: {  	[smem:$0x3FB1] =	sst s9;
	s0 =	simm.s32 @!p0 $0x0  }
0x12: {  	s1 =	sld [smem:$0x3F97];
	s0 =	simm.s32 @p0 $0x1  }
0x13: {  	[smem:$0x3FB2] =	sst s0;
	s0 =	simm.s32 @!p1 $0x0  }
0x14: {  	s2 =	sld [smem:$0x3F96];
	s0 =	simm.s32 @p1 $0x1  }
0x15: {  	[smem:$0x3FB3] =	sst s0;
	s0 =	simm.s32 @!p2 $0x0  }
0x16: {  	s3 =	sld [smem:$0x3FDB];
	s0 =	simm.s32 @p2 $0x1  }
0x17: {  	s4 =	simm.s32 $0x1BF5;
	[smem:$0x3FB5] =	sst s0  }
0x18: {  	s0 =	sld [smem:$0x3F98];
	_ =	swait.ge [sflag:s4], $0x0  }
0x19: {  	s7 =	sld [smem:$0x3F99]  }
0x1a: {  	s8 =	sadd.s32 $0xFFFFE003, lr  }
0x1b: {  	s9 =	sadd.s32 $0xFFFFFEF7, lr;
	s5 =	simm.s32 $0xFFFFFFFF;
	p2 =	slt.u32 s8, $0xFFFFF086  }
0x1c: {  	p1 =	slt.u32 s9, $0xF7A;
	s5 =	simm.s32 @!p2 $0x0  }
0x1d: {  	s5 =	simm.s32 @p1 $0x1;
	p0 =	seq.s32 s7, s2  }
0x1e: {  	s7 =	smul.u32 @!p0 $0xF7A, s2;
	p2 =	seq.s32 @!p0 s5, $0x0  }
0x1f: {  	s9 =	smul.u32 $0xF7A, s1;
	s8 =	simm.s32 @!p0 $0x1BF5;
	p2 =	por !p2, p0  }
0x20: {  	[sflag:s8] =	ssyncset.s32 @!p0 $0xFFFFF086;
	s6 =	sadd.s32 @!p0 s3, s7;
	s7 =	simm.s32 @!p0 $0x108  }
0x21: {  	s3 =	sadd.s32 s3, s9;
	s6 =	sadd.s32 @!p0 $0x88, s6;
	s7 =	simm.s32 @p2 $0x1082  }
0x22: {  	[simem:s7], [sflag:s8] =	dma.local @!p0 [hbm:s6], $0xF7A  }
0x23: {  	s9 =	sor.u32 $0xD0000000, s2;
	s6 =	simm.s32 $0x108;
	_ =	swait.ge @!p0 [sflag:s8], $0x0  }
0x24: {  	s3 =	sadd.s32 $0x88, s3;
	s6 =	simm.s32 @!p1 $0x1082;
	[sflag:s4] =	ssyncset.s32 $0xFFFFF086  }
0x25: {  	[simem:s6], [sflag:s4] =	dma.local [hbm:s3], $0xF7A  }
0x26: {  	[smem:$0x3F99] =	sst s1;
	(tag) =	ssettag s2;
	_ =	strace s9  }
0x27: {  	s1 =	sld [smem:$0x3FA9]  }
0x28: {  	s2 =	sld [smem:$0x3FAA]  }
0x29: {  	s4 =	sld [smem:$0x3FAC]  }
0x2a: {  	p0 =	seq.s32 s5, $0x0;
	s5 =	sld [smem:$0x3FAD]  }
0x2b: {  	s6 =	sld [smem:$0x3FAE]  }
0x2c: {  	s7 =	sld [smem:$0x3FAF]  }
0x2d: {  	s3 =	simm.s32 $0x108;
	s8 =	sld [smem:$0x3FB0]  }
0x2e: {  	s3 =	simm.s32 @!p0 $0x1082;
	s9 =	sld [smem:$0x3FB1]  }
0x2f: {  	lr =	sadd.s32 s0, s3;
	s0 =	sld [smem:$0x3FA8]  }
0x30: {  	s3 =	sld [smem:$0x3FAB]  }
0x31: {  	[smem:$0x3FB4] =	sst s10  }
0x32: {  	s10 =	sld [smem:$0x3FB2];
	_ =	sdelay $0x3  }
0x33: {  	p0 =	seq.s32 s10, $0x1;
	s10 =	sld [smem:$0x3FB4];
	_ =	sdelay $0x3  }
0x34: {  	[smem:$0x3FB4] =	sst s10  }
0x35: {  	s10 =	sld [smem:$0x3FB3];
	_ =	sdelay $0x3  }
0x36: {  	p1 =	seq.s32 s10, $0x1;
	s10 =	sld [smem:$0x3FB4];
	_ =	sdelay $0x3  }
0x37: {  	[smem:$0x3FB4] =	sst s10  }
0x38: {  	s10 =	sld [smem:$0x3FB5]  }
0x39: {  	_ = 	snop;
	(pc) =	sbr.ind lr, $3  }
0x3a: {  	_ = 	snop  }
0x3b: {  	_ = 	snop  }
0x3c: {  	p2 =	seq.s32 s10, $0x1;
	s10 =	sld [smem:$0x3FB4]  }
0x3d: {  	_ =	shalt  }
0x3e: {  	_ =	shalt  }
0x3f: {  	_ =	shalt  }
0x40: {  	_ =	shalt  }
0x41: {  	_ =	shalt  }
0x42: {  	_ =	shalt  }
0x43: {  	_ =	shalt  }
0x44: {  	_ =	shalt  }
0x45: {  	_ =	shalt  }
0x46: {  	_ =	shalt  }
0x47: {  	_ =	shalt  }
0x48: {  	_ =	shalt  }
0x49: {  	_ =	shalt  }
0x4a: {  	_ =	shalt  }
0x4b: {  	_ =	shalt  }
0x4c: {  	_ =	shalt  }
0x4d: {  	_ =	shalt  }
0x4e: {  	_ =	shalt  }
0x4f: {  	_ =	shalt  }
0x50: {  	_ =	shalt  }
0x51: {  	_ =	shalt  }
0x52: {  	_ =	shalt  }
0x53: {  	_ =	shalt  }
0x54: {  	_ =	shalt  }
0x55: {  	_ =	shalt  }
0x56: {  	_ =	shalt  }
0x57: {  	_ =	shalt  }
0x58: {  	_ =	shalt  }
0x59: {  	_ =	shalt  }
0x5a: {  	_ =	shalt  }
0x5b: {  	_ =	shalt  }
0x5c: {  	_ =	shalt  }
0x5d: {  	_ =	shalt  }
0x5e: {  	_ =	shalt  }
0x5f: {  	_ =	shalt  }
0x60: {  	_ =	shalt  }
0x61: {  	_ =	shalt  }
0x62: {  	_ =	shalt  }
0x63: {  	_ =	shalt  }
0x64: {  	_ =	shalt  }
0x65: {  	_ =	shalt  }
0x66: {  	_ =	shalt  }
0x67: {  	_ =	shalt  }
0x68: {  	_ =	shalt  }
0x69: {  	_ =	shalt  }
0x6a: {  	_ =	shalt  }
0x6b: {  	_ =	shalt  }
0x6c: {  	_ =	shalt  }
0x6d: {  	_ =	shalt  }
0x6e: {  	_ =	shalt  }
0x6f: {  	_ =	shalt  }
0x70: {  	_ =	shalt  }
0x71: {  	_ =	shalt  }
0x72: {  	_ =	shalt  }
0x73: {  	_ =	shalt  }
0x74: {  	_ =	shalt  }
0x75: {  	_ =	shalt  }
0x76: {  	_ =	shalt  }
0x77: {  	_ =	shalt  }
0x78: {  	_ =	shalt  }
0x79: {  	_ =	shalt  }
0x7a: {  	_ =	shalt  }
0x7b: {  	_ =	shalt  }
0x7c: {  	_ =	shalt  }
0x7d: {  	_ =	shalt  }
0x7e: {  	_ =	shalt  }
0x7f: {  	_ =	shalt  }
0x80: {  	_ =	shalt  }
0x81: {  	_ =	shalt  }
0x82: {  	_ =	shalt  }
0x83: {  	_ =	shalt  }
0x84: {  	_ =	shalt  }
0x85: {  	_ =	shalt  }
0x86: {  	_ =	shalt  }
0x87: {  	_ =	shalt  }
.Lfunc_end0:
.L_simem_size_0:
called_computation.1_lowered:
.L_overlay_start_0:
0x88: {  	s2 =	sld [smem:$0x3FD9]  }
0x89: {  	s3 =	sld [smem:$0x3FFE];
	_ =	sdelay $0x1  }
0x8a: {  	s1 =	srdreg.scid  }
0x8b: {  	s0 =	sand.u32 $0x1, s1  }
0x8c: {  	s17 =	sshll.u32 s0, $0xA;
	s2 =	sadd.s32 s3, s2  }
0x8d: {  	s2 =	sadd.s32 s2, s17  }
0x8e: {  	[smem:$0x3FC0] =	sst s2  }
0x8f: {  	_ = 	snop  }
0x90: {  	s2 =	sld [smem:$0x3FD0];
	(tm) =	ssettm $0x1  }
0x91: {  	s18 =	sld [smem:$0x3FFB];
	_ =	sdelay $0x3  }
0x92: {  	_ =	strace s18  }
0x93: {  	s3 =	sld [smem:$0x3FFC];
	_ =	sdelay $0x3  }
0x94: {  	_ =	strace s3  }
0x95: {  	s3 =	sld [smem:$0x3FFD];
	_ =	sdelay $0x3  }
0x96: {  	_ =	strace s3  }
0x97: {  	_ =	strace $0x8FFFFFFF  }
0x98: {  	s19 =	sld [smem:$0x3FDB];
	_ =	sdelay $0x1  }
0x99: {  	s4 =	simm.s32 $_scs_section_size  }
0x9a: {  	s5 =	simm.s32 $_size__tile_overlayer_lowered;
	s6 =	simm.s32 $_tile_overlayer_lowered  }
0x9b: {  	s22 =	simm.s32 $0x1BFF;
	s21 =	sshll.u32 s6, $0x1;
	s3 =	sadd.s32 s4, s19  }
0x9c: {  	s7 =	simm.s32 $0x0;
	s20 =	sshll.u32 s5, $0x1;
	s5 =	sadd.s32 s21, s3  }
0x9d: {  	[timem:s7], [sflag:s22] =	dma.local [hbm:s5], s20  }
0x9e: {  	_ =	swait.ge [sflag:s22], s20  }
0x9f: {  	s4 =	ssub.s32 $0x0, s20;
	[sflag:s22] =	ssyncset.done $0x0  }
0xa0: {  	[sflag:s22] =	ssyncadd.s32 s4;
	_ =	sdelay $0x1  }
0xa1: {  	s23 =	simm.s32 $0x1B8B  }
0xa2: {  	_ =	swait.ge [sflag:s23], $0x1  }
0xa3: {  	[sflag:s23] =	ssyncset.done $0x0  }
0xa4: {  	s25 =	simm.s32 $0x1B8E;
	s24 =	sld [smem:$0x3FFE];
	[sflag:s23] =	ssyncadd.s32 $0xFFFFFFFF  }
0xa5: {  	s26 =	simm.s32 $execute0_lowered;
	[smem:$0x3FD2] =	sst s25  }
0xa6: {  	s5 =	sshll.u32 s26, $0x1;
	_ =	strace $0x80000049;
	[dreg:$0x1] =	wrdreg $0xFFFFFFFF  }
0xa7: {  	s28 =	simm.s32 $_size_execute0_lowered;
	s3 =	sadd.s32 s3, s5;
	[dreg:$0x0] =	wrdreg $0x0  }
0xa8: {  	s5 =	sshll.u32 s28, $0x1;
	[dreg:$0x2] =	wrdreg s3  }
0xa9: {  	[dreg:$0x3] =	wrdreg s5  }
0xaa: {  	[dreg:$0x4] =	wrdreg $0xC0  }
0xab: {  	_ =	task [dreg:s7], $0x5FFFF  }
0xac: {  	[dreg:$0x1] =	wrdreg $0xFFFFFFFF  }
0xad: {  	[dreg:$0x0] =	wrdreg $0x60  }
0xae: {  	[dreg:$0x2] =	wrdreg s24  }
0xaf: {  	[dreg:$0x3] =	wrdreg s2  }
0xb0: {  	[dreg:$0x4] =	wrdreg $0x195A00  }
0xb1: {  	[dreg:$0x5] =	wrdreg $0x9  }
0xb2: {  	_ =	task.clear_ibuf [dreg:s7], $0x6FFFF;
	_ =	strace $0x90000049  }
0xb3: {  	s29 =	simm.s32 $0x9;
	_ =	strace $0x8000004B  }
0xb4: {  	_ =	swait.ge [sflag:s29], $0x1  }
0xb5: {  	[sflag:s29] =	ssyncadd.s32 $0xFFFFFFFF  }
0xb6: {  	_ =	strace $0x9000004B  }
0xb7: {  	_ =	sfence  }
0xb8: {  	s30 =	sld [smem:$0x0];
	_ =	sdelay $0x2  }
0xb9: {  	s31 =	sshll.u32 s1, $0xD;
	s1 =	sshrl.u32 s1, $0x2  }
0xba: {  	s3 =	sand.u32 $0x4000, s31;
	s1 =	sadd.s32 s1, s30  }
0xbb: {  	s0 =	sor.u32 s3, s0;
	s1 =	sshll.u32 s1, $0x11  }
0xbc: {  	s0 =	sor.u32 s1, s0  }
0xbd: {  	s0 =	sadd.s32 $0x8F2B, s0  }
0xbe: {  	[sflag:s0] =	ssyncadd.remote.s32 $0x1  }
0xbf: {  	_ =	sfence.sel $0xFFFF  }
0xc0: {  	[dreg:$0x0] =	wrdreg $0xFFFFFFFF;
	(pc) =	sbr.abs _section_cstart, $3  }
0xc1: {  	[dreg:$0x1] =	wrdreg $0xFFFFFFFF  }
0xc2: {  	_ =	task.clear_ibuf [dreg:s7], $0x2FFFF;
	_ =	strace $0x9FFFFFFF  }
0xc3: {  	(tm) =	ssettm $0x7FFFFFFF  }
tec
execute0_lowered:
.L_overlay_start_1:
0x0: {  	(tag) =	ssettag $0x1  }
0x1: {  	s0 =	rddreg [dreg:$0x0]  }
0x2: {  	s1 =	rddreg [dreg:$0x1]  }
0x3: {  	s2 =	rddreg [dreg:$0x2]  }
0x4: {  	s3 =	simm.s32 $0x0;
	s12 =	stileid.u32;
	s4 =	srdreg.scid  }
0x5: {  	s28 =	simm.s32 $0x1;
	s29 =	simm.s32 $0x10040;
	s30 =	simm.s32 $0x2  }
0x6: {  	s31 =	simm.s32 $0x9920;
	[smem:$0x7FF] =	sst s3;
	s5 =	smul.u32 $0x9C4, s12  }
0x7: {  	s6 =	sand.u32 $0x1, s4;
	s4 =	smul.u32 $0x278, s12;
	s7 =	sadd.s32 $0x65400, s0  }
0x8: {  	s8 =	sadd.s32 $0x79000, s0;
	s25 =	smul.u32 $0x13C00, s12;
	_ =	strace $0x8000004A  }
0x9: {  	s10 =	ssub.s32 $0x2, s6;
	s9 =	sadd.s32 s5, s0;
	s5 =	smul.u32 $0x2780, s6  }
0xa: {  	s6 =	sadd.s32 $0xB4400, s0;
	s11 =	sshrl.u32 s10, $0x1;
	s26 =	sadd.s32 $0x9E, s4  }
0xb: {  	s15 =	sshrl.u32 s25, $0x2;
	s17 =	sadd.s32 $0x13C, s4;
	s21 =	sadd.s32 $0x1DA, s4  }
0xc: {  	s23 =	ssub.s32 s10, s11;
	s18 =	sshll.u32 s26, $0x5;
	s24 =	sadd.s32 s5, s4  }
0xd: {  	s0 =	smax.u32 s23, $0x1;
	s14 =	sadd.s32 s5, s26;
	s19 =	sadd.s32 s5, s17  }
0xe: {  	s23 =	sadd.s32 s5, s21;
	s26 =	sshll.u32 s21, $0x5;
	s10 =	sshll.u32 s24, $0x2  }
0xf: {  	[dreg:$0x4] =	wrdreg s0;
	s0 =	sshll.u32 s14, $0x2;
	s13 =	sadd.s32 s1, s10  }
0x10: {  	s20 =	sshll.u32 s19, $0x2;
	s10 =	sadd.s32 s8, s10;
	[dreg:$0x5] =	wrdreg s13  }
0x11: {  	s25 =	sshll.u32 s23, $0x2;
	s16 =	sadd.s32 s1, s0;
	[dreg:$0x6] =	wrdreg s10  }
0x12: {  	s21 =	sadd.s32 s26, s2;
	s0 =	sadd.s32 s8, s0;
	[dreg:$0x8] =	wrdreg s16  }
0x13: {  	s23 =	simm.s32 $0x3;
	s22 =	sadd.s32 s1, s20;
	[dreg:$0x9] =	wrdreg s0  }
0x14: {  	s26 =	simm.s32 $0x9C40;
	s10 =	sadd.s32 s15, s2;
	[dreg:$0xb] =	wrdreg s22  }
0x15: {  	s19 =	sadd.s32 s1, s25;
	s0 =	sadd.s32 s18, s2;
	[dreg:$0x7] =	wrdreg s10  }
0x16: {  	s1 =	simm.s32 $0x0;
	s22 =	sadd.s32 $0xC640, s9;
	[dreg:$0xa] =	wrdreg s0  }
0x17: {  	s10 =	sshll.u32 s17, $0x5;
	s0 =	sadd.s32 s8, s20;
	s20 =	sadd.s32 s8, s25  }
0x18: {  	s25 =	simm.s32 $0x320;
	[dreg:$0xc] =	wrdreg s0;
	s24 =	sadd.s32 s10, s2  }
0x19: {  	v0 =	vmov s5;
	s0 =	simm.s32 $0x17800;
	[dreg:$0xd] =	wrdreg s24;
	s24 =	simm.s32 $0x16440  }
.LBB2_1:
0x1a: {  	s9 =	simm.s32 $0x0;
	s10 =	sadd.s32 $0xFFFF63C0, s22  }
0x1b: {  	[tilespmem:s9], [sflag:$0x3] =	stream.linear.gather [hbm4b:s10+s3], $0x320, $0x38;
	[tilespmem:$0x1E4C0] =	vst v63  }
0x1c: {  	_ =	swait.ge [sflag:s23], $0x320  }
0x1d: {  	[sflag:s23] =	ssyncset.done $0x0  }
0x1e: {  	s18 =	simm.s32 $0x4E20;
	[sflag:s23] =	ssyncadd.s32 $0xFFFFFCE0  }
0x1f: {  	[tilespmem:s18], [sflag:$0x3] =	stream.linear.gather [hbm4b:s22+s3], $0x320, $0x38;
	[tilespmem:$0x1E4C0] =	vst v63  }
0x20: {  	s11 =	simm.s32 $0x1900;
	_ =	swait.ge [sflag:s23], $0x320  }
0x21: {  	s12 =	simm.s32 $0x320;
	s10 =	sadd.s32 $0x64, s22;
	[sflag:s23] =	ssyncset.done $0x0  }
.LBB2_2:
0x22: {  	s13 =	sadd.s32 $0xFFFF63C0, s10  }
0x23: {  	s9 =	simm.s32 $0x0;
	[sflag:s23] =	ssyncadd.s32 $0xFFFFFCE0;
	s14 =	smov.u32 s11  }
0x24: {  	[tilespmem:s12], [sflag:$0x3] =	stream.linear.gather [hbm4b:s13+s9], $0x320, $0x38;
	[tilespmem:$0x1E4C0] =	vst v63  }
0x25: {  	p0 =	seq.s32 s11, $0x12C00;
	s11 =	sadd.s32 $0xC80, s11;
	_ =	swait.ge [sflag:s23], $0x320  }
.Ltmp0:
0x26: {  	[sflag:s23] =	ssyncset.done $0x0;
	(pc) =	sbr.rel @!p0 .LBB2_2-.Ltmp0, $4  }
0x27: {  	s12 =	sadd.s32 $0x4E20, s12;
	[sflag:s23] =	ssyncadd.s32 $0xFFFFFCE0  }
0x28: {  	[tilespmem:s12], [sflag:$0x3] =	stream.linear.gather [hbm4b:s10+s9], $0x320, $0x38;
	[tilespmem:$0x1E4C0] =	vst v63  }
0x29: {  	_ =	swait.ge [sflag:s23], $0x320  }
0x2a: {  	s12 =	sshra.s32 s14, $0x2;
	s10 =	sadd.s32 $0x64, s10;
	[sflag:s23] =	ssyncset.done $0x0  }
0x2b: {  	s11 =	sadd.s32 $0xFFFF63C0, s10;
	[sflag:s23] =	ssyncadd.s32 $0xFFFFFCE0  }
0x2c: {  	[tilespmem:s12], [sflag:$0x3] =	stream.linear.gather [hbm4b:s11+s9], $0x320, $0x38;
	[tilespmem:$0x1E4C0] =	vst v63  }
0x2d: {  	_ =	swait.ge [sflag:s23], $0x320  }
0x2e: {  	[sflag:s23] =	ssyncset.done $0x0  }
0x2f: {  	s18 =	sadd.s32 $0x4E20, s12;
	[sflag:s23] =	ssyncadd.s32 $0xFFFFFCE0  }
0x30: {  	[tilespmem:s18], [sflag:$0x3] =	stream.linear.gather [hbm4b:s10+s9], $0x320, $0x38;
	[tilespmem:$0x1E4C0] =	vst v63  }
0x31: {  	_ =	swait.ge [sflag:s23], $0x320  }
0x32: {  	[sflag:s23] =	ssyncset.done $0x0  }
0x33: {  	s10 =	simm.s32 $0x0;
	[sflag:s23] =	ssyncadd.s32 $0xFFFFFCE0  }
.LBB2_4:
0x34: {  	p0 =	por $0x1, $0x1  }
.Ltmp1:
0x35: {  	v1 =	vmov s9;
	(pc) =	sbr.rel @!p0 .LBB2_6-.Ltmp1, $2  }
0x36: {  	_ =	sdelay $0x2  }
0x37: {  	s11 =	simm.s32 $0x0;
	s12 =	simm.s32 $0x40  }
.LBB2_5:
0x38: {  	p0 =	sne.s32 s12, $0xC40;
	v2 =	vld.idx.msk [tilespmem:v1+s11+$0x0 ss:$0x1], $0xffff;
	_ =	sdelay $0x2  }
.Ltmp2:
0x39: {  	(pc) =	sbr.rel @p0 .LBB2_5-.Ltmp2, $3  }
0x3a: {  	_ =	sdelay $0x1  }
0x3b: {  	v2 =	vadd.s32 v0, v2  }
0x3c: {  	[tilespmem:v1+s11+$0x0 ss:$0x1] =	vst.idx.msk $0xffff, v2;
	s11 =	sshra.s32 s12, $0x2;
	s12 =	sadd.s32 $0x40, s12  }
.LBB2_6:
0x3d: {  	_ =	sdelay $0x3  }
0x3e: {  	v2 =	vld.idx.msk [tilespmem:v1+s11+$0x0 ss:$0x1], $0xffff;
	s10 =	sadd.s32 $0x1, s10  }
0x3f: {  	p0 =	seq.s32 s10, $0x19  }
.Ltmp3:
0x40: {  	_ = 	snop;
	(pc) =	sbr.rel @!p0 .LBB2_4-.Ltmp3, $3  }
0x41: {  	_ =	sdelay $0x1  }
0x42: {  	v2 =	vadd.s32 v0, v2  }
0x43: {  	s9 =	sadd.s32 $0x320, s9;
	[tilespmem:v1+s11+$0x0 ss:$0x1] =	vst.idx.msk $0xffff, v2  }
0x44: {  	s9 =	simm.s32 $0x0;
	s10 =	rddreg [dreg:$0x5]  }
0x45: {  	[tilespmem:s24], [sflag:$0x3] =	stream.linear.gather [hbm4b:s10+s9], $0x13C0, $0x38;
	[tilespmem:$0x1E4C0] =	vst v63  }
0x46: {  	_ =	swait.ge [sflag:s23], $0x13C0  }
0x47: {  	[sflag:s23] =	ssyncset.done $0x0  }
0x48: {  	s11 =	rddreg [dreg:$0x6];
	[sflag:s23] =	ssyncadd.s32 $0xFFFFEC40  }
0x49: {  	[hbm4b:s11+s9] =	stream.linear.scatter [tilespmem:s24], [sflag:$0x3], $0x13C0, $0x38;
	[tilespmem:$0x1E4C0] =	vst v63  }
0x4a: {  	_ =	swait.ge [sflag:s23], $0x13C0  }
0x4b: {  	[sflag:s23] =	ssyncset.done $0x0  }
0x4c: {  	s12 =	rddreg [dreg:$0x7];
	[sflag:s23] =	ssyncadd.s32 $0xFFFFEC40  }
0x4d: {  	[spmem:s12] =	stream.linear.scatter [tilespmem:s24], [sflag:$0x3], $0x13C0, $0x38;
	[tilespmem:$0x1E4C0] =	vst v63  }
0x4e: {  	_ =	swait.ge [sflag:s23], $0x13C0  }
0x4f: {  	[sflag:s23] =	ssyncset.done $0x0  }
0x50: {  	s13 =	rddreg [dreg:$0x8];
	[sflag:s23] =	ssyncadd.s32 $0xFFFFEC40  }
0x51: {  	[tilespmem:s24], [sflag:$0x3] =	stream.linear.gather [hbm4b:s13+s9], $0x13C0, $0x38;
	[tilespmem:$0x1E4C0] =	vst v63  }
0x52: {  	_ =	swait.ge [sflag:s23], $0x13C0  }
0x53: {  	[sflag:s23] =	ssyncset.done $0x0  }
0x54: {  	s14 =	rddreg [dreg:$0x9];
	[sflag:s23] =	ssyncadd.s32 $0xFFFFEC40  }
0x55: {  	[hbm4b:s14+s9] =	stream.linear.scatter [tilespmem:s24], [sflag:$0x3], $0x13C0, $0x38;
	[tilespmem:$0x1E4C0] =	vst v63  }
0x56: {  	_ =	swait.ge [sflag:s23], $0x13C0  }
0x57: {  	[sflag:s23] =	ssyncset.done $0x0  }
0x58: {  	s15 =	rddreg [dreg:$0xa];
	[sflag:s23] =	ssyncadd.s32 $0xFFFFEC40  }
0x59: {  	[spmem:s15] =	stream.linear.scatter [tilespmem:s24], [sflag:$0x3], $0x13C0, $0x38;
	[tilespmem:$0x1E4C0] =	vst v63  }
0x5a: {  	_ =	swait.ge [sflag:s23], $0x13C0  }
0x5b: {  	[sflag:s23] =	ssyncset.done $0x0  }
0x5c: {  	s16 =	rddreg [dreg:$0xb];
	[sflag:s23] =	ssyncadd.s32 $0xFFFFEC40  }
0x5d: {  	[tilespmem:s24], [sflag:$0x3] =	stream.linear.gather [hbm4b:s16+s9], $0x13C0, $0x38;
	[tilespmem:$0x1E4C0] =	vst v63  }
0x5e: {  	_ =	swait.ge [sflag:s23], $0x13C0  }
0x5f: {  	[sflag:s23] =	ssyncset.done $0x0  }
0x60: {  	s17 =	rddreg [dreg:$0xc];
	[sflag:s23] =	ssyncadd.s32 $0xFFFFEC40  }
0x61: {  	[hbm4b:s17+s9] =	stream.linear.scatter [tilespmem:s24], [sflag:$0x3], $0x13C0, $0x38;
	[tilespmem:$0x1E4C0] =	vst v63  }
0x62: {  	_ =	swait.ge [sflag:s23], $0x13C0  }
0x63: {  	[sflag:s23] =	ssyncset.done $0x0  }
0x64: {  	s18 =	rddreg [dreg:$0xd];
	[sflag:s23] =	ssyncadd.s32 $0xFFFFEC40  }
0x65: {  	[spmem:s18] =	stream.linear.scatter [tilespmem:s24], [sflag:$0x3], $0x13C0, $0x38;
	[tilespmem:$0x1E4C0] =	vst v63  }
0x66: {  	_ =	swait.ge [sflag:s23], $0x13C0  }
0x67: {  	[sflag:s23] =	ssyncset.done $0x0  }
0x68: {  	[sflag:s23] =	ssyncadd.s32 $0xFFFFEC40  }
0x69: {  	[tilespmem:s24], [sflag:$0x3] =	stream.linear.gather [hbm4b:s19+s9], $0x13C0, $0x38;
	[tilespmem:$0x1E4C0] =	vst v63  }
0x6a: {  	_ =	swait.ge [sflag:s23], $0x13C0  }
0x6b: {  	[sflag:s23] =	ssyncset.done $0x0  }
0x6c: {  	[sflag:s23] =	ssyncadd.s32 $0xFFFFEC40  }
0x6d: {  	[hbm4b:s20+s9] =	stream.linear.scatter [tilespmem:s24], [sflag:$0x3], $0x13C0, $0x38;
	[tilespmem:$0x1E4C0] =	vst v63  }
0x6e: {  	_ =	swait.ge [sflag:s23], $0x13C0  }
0x6f: {  	[sflag:s23] =	ssyncset.done $0x0  }
0x70: {  	[sflag:s23] =	ssyncadd.s32 $0xFFFFEC40  }
0x71: {  	[spmem:s21] =	stream.linear.scatter [tilespmem:s24], [sflag:$0x3], $0x13C0, $0x38;
	[tilespmem:$0x1E4C0] =	vst v63  }
0x72: {  	_ =	swait.ge [sflag:s23], $0x13C0  }
0x73: {  	[sflag:s23] =	ssyncset.done $0x0  }
0x74: {  	[sflag:s23] =	ssyncadd.s32 $0xFFFFEC40  }
0x75: {  	s10 =	simm.s32 $0x0;
	[bflag:$0x0] =	sbarrier.arrive $0xFFFF  }
.LBB2_8:
0x76: {  	[tilespmem:s26], [sflag:$0x1] =	stream.indirect.gather [hbm4b:s8+s25], $0x20, s9, s25, $0xb8;
	[tilespmem:$0x1E4C0] =	vst v63  }
0x77: {  	_ =	swait.ge [sflag:s28], $0x6400  }
0x78: {  	[sflag:s28] =	ssyncset.done $0x0  }
0x79: {  	s11 =	simm.s32 $0x320;
	[sflag:s28] =	ssyncadd.s32 $0xFFFF9C00  }
0x7a: {  	[tilespmem:s29], [sflag:$0x2] =	stream.indirect.gather [hbm4b:s8+s25], $0x20, s11, s25, $0xb8;
	[tilespmem:$0x1E4C0] =	vst v63  }
0x7b: {  	s16 =	simm.s32 $0x4E20  }
0x7c: {  	[spmem:s2] =	stream.indirect.scatter.add.f32 [tilespmem:s26], [sflag:$0x3], $0x20, s16, s25, $0xb8;
	[tilespmem:$0x1E4C0] =	vst v63  }
0x7d: {  	_ =	swait.ge [sflag:s23], $0x6400  }
0x7e: {  	[sflag:s23] =	ssyncset.done $0x0  }
0x7f: {  	[sflag:s23] =	ssyncadd.s32 $0xFFFF9C00  }
0x80: {  	_ =	swait.ge [sflag:s30], $0x6400  }
0x81: {  	[sflag:s30] =	ssyncset.done $0x0  }
0x82: {  	s17 =	simm.s32 $0x640;
	[sflag:s30] =	ssyncadd.s32 $0xFFFF9C00  }
0x83: {  	[tilespmem:s26], [sflag:$0x1] =	stream.indirect.gather [hbm4b:s8+s25], $0x20, s17, s25, $0xb8;
	[tilespmem:$0x1E4C0] =	vst v63  }
0x84: {  	s18 =	simm.s32 $0x5140  }
0x85: {  	[spmem:s2] =	stream.indirect.scatter.add.f32 [tilespmem:s29], [sflag:$0x3], $0x20, s18, s25, $0xb8;
	[tilespmem:$0x1E4C0] =	vst v63  }
0x86: {  	_ =	swait.ge [sflag:s23], $0x6400  }
0x87: {  	s11 =	simm.s32 $0x1900;
	[sflag:s23] =	ssyncset.done $0x0  }
.LBB2_9:
0x88: {  	p0 =	sne.s32 s11, $0x11300  }
0x89: {  	[sflag:s23] =	ssyncadd.s32 $0xFFFF9C00;
	s12 =	smov.u32 s11;
	s11 =	sadd.s32 $0x1900, s11  }
0x8a: {  	_ = 	snop  }
0x8b: {  	_ =	swait.ge [sflag:s28], $0x6400  }
0x8c: {  	s12 =	sshra.s32 s12, $0x2;
	[sflag:s28] =	ssyncset.done $0x0  }
0x8d: {  	s13 =	sadd.s32 $0x320, s12;
	[sflag:s28] =	ssyncadd.s32 $0xFFFF9C00  }
0x8e: {  	[tilespmem:s29], [sflag:$0x2] =	stream.indirect.gather [hbm4b:s8+s25], $0x20, s13, s25, $0xb8;
	[tilespmem:$0x1E4C0] =	vst v63  }
0x8f: {  	s13 =	sadd.s32 $0x4E20, s12  }
0x90: {  	[spmem:s2] =	stream.indirect.scatter.add.f32 [tilespmem:s26], [sflag:$0x3], $0x20, s13, s25, $0xb8;
	[tilespmem:$0x1E4C0] =	vst v63  }
0x91: {  	_ =	swait.ge [sflag:s23], $0x6400  }
0x92: {  	[sflag:s23] =	ssyncset.done $0x0  }
0x93: {  	[sflag:s23] =	ssyncadd.s32 $0xFFFF9C00  }
0x94: {  	_ =	swait.ge [sflag:s30], $0x6400  }
0x95: {  	[sflag:s30] =	ssyncset.done $0x0  }
0x96: {  	s13 =	sadd.s32 $0x640, s12;
	[sflag:s30] =	ssyncadd.s32 $0xFFFF9C00  }
0x97: {  	[tilespmem:s26], [sflag:$0x1] =	stream.indirect.gather [hbm4b:s8+s25], $0x20, s13, s25, $0xb8;
	[tilespmem:$0x1E4C0] =	vst v63  }
.Ltmp4:
0x98: {  	_ = 	snop;
	(pc) =	sbr.rel @p0 .LBB2_9-.Ltmp4, $4  }
0x99: {  	s12 =	sadd.s32 $0x5140, s12  }
0x9a: {  	[spmem:s2] =	stream.indirect.scatter.add.f32 [tilespmem:s29], [sflag:$0x3], $0x20, s12, s25, $0xb8;
	[tilespmem:$0x1E4C0] =	vst v63  }
0x9b: {  	_ =	swait.ge [sflag:s23], $0x6400  }
0x9c: {  	[sflag:s23] =	ssyncset.done $0x0  }
0x9d: {  	[sflag:s23] =	ssyncadd.s32 $0xFFFF9C00  }
0x9e: {  	_ =	swait.ge [sflag:s28], $0x6400  }
0x9f: {  	[sflag:s28] =	ssyncset.done $0x0  }
0xa0: {  	[sflag:s28] =	ssyncadd.s32 $0xFFFF9C00  }
0xa1: {  	[spmem:s2] =	stream.indirect.scatter.add.f32 [tilespmem:s26], [sflag:$0x3], $0x20, s31, s25, $0xb8;
	[tilespmem:$0x1E4C0] =	vst v63  }
0xa2: {  	_ =	swait.ge [sflag:s23], $0x6400  }
0xa3: {  	[sflag:s23] =	ssyncset.done $0x0  }
0xa4: {  	[sflag:s23] =	ssyncadd.s32 $0xFFFF9C00  }
0xa5: {  	s11 =	simm.s32 $0x0;
	s12 =	simm.s32 $0x0;
	[bflag:$0x0] =	sbarrier.arrive $0xFFFF  }
.LBB2_11:
0xa6: {  	s13 =	smul.u32 $0x9E, s12;
	_ =	sdelay $0x1  }
0xa7: {  	s15 =	sadd.s32 s4, s13  }
0xa8: {  	s13 =	sshll.u32 s15, $0x1  }
0xa9: {  	s14 =	sadd.s32 s6, s13;
	s13 =	simm.s32 $0x18BC0  }
0xaa: {  	[tilespmem:s13], [sflag:$0x3] =	stream.linear.gather [hbm4b:s14+s11], $0x9E0, $0x38;
	[tilespmem:$0x1E4C0] =	vst v63  }
0xab: {  	s18 =	sadd.s32 s5, s15;
	_ =	swait.ge [sflag:s23], $0x9E0  }
0xac: {  	s14 =	sshll.u32 s18, $0x2;
	[sflag:s23] =	ssyncset.done $0x0  }
0xad: {  	s16 =	sadd.s32 s7, s14;
	[sflag:s23] =	ssyncadd.s32 $0xFFFFF620  }
0xae: {  	[tilespmem:s0], [sflag:$0x3] =	stream.linear.gather [hbm4b:s16+s11], $0x13C0, $0x38;
	[tilespmem:$0x1E4C0] =	vst v63  }
0xaf: {  	s15 =	sshll.u32 s15, $0x5;
	_ =	swait.ge [sflag:s23], $0x13C0  }
0xb0: {  	s15 =	sand.u32 $0x3FFFFFE0, s15;
	[sflag:s23] =	ssyncset.done $0x0  }
0xb1: {  	s15 =	sadd.s32 s15, s2;
	[sflag:s23] =	ssyncadd.s32 $0xFFFFEC40  }
0xb2: {  	[tilespmem:s24], [sflag:$0x3] =	stream.linear.gather [spmem:s15], $0x13C0, $0x38;
	[tilespmem:$0x1E4C0] =	vst v63  }
0xb3: {  	_ =	swait.ge [sflag:s23], $0x13C0  }
0xb4: {  	[sflag:s23] =	ssyncset.done $0x0  }
0xb5: {  	[sflag:s23] =	ssyncadd.s32 $0xFFFFEC40  }
0xb6: {  	s16 =	simm.s32 $0x0;
	v2 =	vld.msk [tilespmem:s13+$0x0 ss:$0x0], $0xffff  }
0xb7: {  	v1 =	vld [tilespmem:s16+$0x16440];
	_ =	sdelay $0x1  }
0xb8: {  	v3 =	vld [tilespmem:s16+$0x16450]  }
0xb9: {  	v4 =	vld [tilespmem:s16+$0x17800];
	_ =	sdelay $0x1  }
0xba: {  	v5 =	vmul.f32 v2, v1;
	v1 =	vld [tilespmem:s16+$0x17810];
	_ =	sdelay $0x2  }
0xbb: {  	s17 =	simm.s32 $0x80;
	v3 =	vmul.f32 v3, v2;
	v2 =	vadd.f32 v4, v5  }
.LBB2_12:
0xbc: {  	p0 =	sne.s32 s17, $0x4E80  }
0xbd: {  	v1 =	vadd.f32 v1, v3;
	s13 =	sadd.s32 $0x10, s13;
	s18 =	smov.u32 s17;
	s17 =	sadd.s32 $0x80, s17  }
0xbe: {  	[tilespmem:s16+$0x16440] =	vst v2  }
0xbf: {  	[tilespmem:s16+$0x16450] =	vst v1;
	s16 =	sshra.s32 s18, $0x2  }
0xc0: {  	v2 =	vld.msk [tilespmem:s13+$0x0 ss:$0x0], $0xffff  }
0xc1: {  	v3 =	vld [tilespmem:s16+$0x16440]  }
0xc2: {  	v4 =	vld [tilespmem:s16+$0x16450]  }
0xc3: {  	v5 =	vld [tilespmem:s16+$0x17800]  }
.Ltmp5:
0xc4: {  	v1 =	vld [tilespmem:s16+$0x17810];
	(pc) =	sbr.rel @p0 .LBB2_12-.Ltmp5, $4  }
0xc5: {  	_ = 	snop  }
0xc6: {  	v6 =	vmul.f32 v2, v3  }
0xc7: {  	v3 =	vmul.f32 v4, v2  }
0xc8: {  	v2 =	vadd.f32 v5, v6  }
0xc9: {  	v1 =	vadd.f32 v1, v3  }
0xca: {  	[tilespmem:s16+$0x16440] =	vst v2  }
0xcb: {  	s13 =	sadd.s32 s8, s14;
	[tilespmem:s16+$0x16450] =	vst v1  }
0xcc: {  	[hbm4b:s13+s3] =	stream.linear.scatter [tilespmem:s24], [sflag:$0x3], $0x13C0, $0x38;
	[tilespmem:$0x1E4C0] =	vst v63  }
0xcd: {  	s12 =	sadd.s32 $0x1, s12;
	_ =	swait.ge [sflag:s23], $0x13C0  }
0xce: {  	p0 =	sne.s32 s12, $0x4;
	[sflag:s23] =	ssyncset.done $0x0  }
.Ltmp6:
0xcf: {  	[sflag:s23] =	ssyncadd.s32 $0xFFFFEC40;
	(pc) =	sbr.rel @p0 .LBB2_11-.Ltmp6, $4  }
0xd0: {  	[spmem:s15] =	stream.linear.scatter [tilespmem:s24], [sflag:$0x3], $0x13C0, $0x38;
	[tilespmem:$0x1E4C0] =	vst v63  }
0xd1: {  	_ =	swait.ge [sflag:s23], $0x13C0  }
0xd2: {  	[sflag:s23] =	ssyncset.done $0x0  }
0xd3: {  	[sflag:s23] =	ssyncadd.s32 $0xFFFFEC40  }
0xd4: {  	s10 =	sadd.s32 $0x1, s10  }
0xd5: {  	p0 =	sne.s32 s10, $0xA  }
.Ltmp7:
0xd6: {  	_ = 	snop;
	(pc) =	sbr.rel @p0 .LBB2_8-.Ltmp7, $2  }
0xd7: {  	_ =	sdelay $0x1  }
0xd8: {  	[bflag:$0x0] =	sbarrier.arrive $0xFFFF;
	_ =	sdelay $0x1  }
0xd9: {  	s1 =	sadd.s32 $0x1, s1;
	s9 =	rddreg [dreg:$0x4]  }
0xda: {  	p0 =	sne.s32 s1, s9  }
.Ltmp8:
0xdb: {  	_ = 	snop;
	(pc) =	sbr.rel @p0 .LBB2_1-.Ltmp8, $1  }
0xdc: {  	_ =	sdelay $0x3  }
0xdd: {  	_ =	sfence.sel $0x180000  }
0xde: {  	[bflag:$0x0] =	sbarrier.arrive $0xFFFF  }
0xdf: {  	_ =	strace $0x9000004A  }
0xe0: {  	s0 =	stileid.u32;
	[bflag:$0x2] =	sbarrier.arrive $0xFFFF  }
0xe1: {  	p0 =	sne.s32 s0, $0x0;
	s0 =	rddreg [dreg:$0x3]  }
0xe2: {  	s0 =	sadd.s32 @!p0 $0x100000, s0  }
0xe3: {  	[sflag:s0] =	ssyncadd.tile.s32 @!p0 $0x1;
	_ =	shalt  }
.Lfunc_end2:
_tile_overlayer_lowered:
.L_overlay_start_2:
0xe4: {  	(tag) =	ssettag $0x2  }
0xe5: {  	s0 =	rddreg [dreg:$0x0];
	s2 =	stileid.u32  }
0xe6: {  	s1 =	rddreg [dreg:$0x1];
	p0 =	sne.s32 s2, $0x0  }
0xe7: {  	s3 =	rddreg [dreg:$0x2];
	[bflag:$0x3] =	sbarrier.arrive $0xFFFF;
	s2 =	simm.s32 @!p0 $0x1C03  }
0xe8: {  	[timem:s3], [sflag:s2] =	dma.local @!p0 [hbm:s0], s1  }
0xe9: {  	s0 =	simm.s32 @!p0 $0x3  }
0xea: {  	_ =	swait.ge @!p0 [sflag:s0], s1  }
0xeb: {  	s1 =	ssub.s32 @!p0 $0x0, s1;
	[sflag:s0] =	ssyncset.done @!p0 $0x0  }
0xec: {  	[sflag:s0] =	ssyncadd.s32 @!p0 s1  }
0xed: {  	[bflag:$0x3] =	sbarrier.arrive $0xFFFF  }
0xee: {  	_ =	shalt  }

</sc_bundles>
